<compile_context>
chip_gen: v7x
topology: tpu7x:2x2x1
jax: 0.10.2.dev20260603
libtpu: 0.0.44.dev20260713+nightly
codegen_flags: <defaults>
</compile_context>

<pallas_src>
import functools

import numpy as np
import jax
import jax.numpy as jnp
from jax import lax
from jax.experimental import pallas as pl
from jax.experimental.pallas import tpu as pltpu
from jax.experimental.pallas import tpu_sc as plsc

BATCH = 32
WINDOW = 512
HOP = 128
NFFT = 512
FRAMES = 256
BINS = 257
SIG_LEN = (FRAMES - 1) * HOP + WINDOW
ROWS_PAD = 264
SIG_PAD = ROWS_PAD * HOP
NUM_SAMPLES = 2048


def _np_hann(length):
    n = np.arange(length, dtype=np.float64)
    return 0.5 - 0.5 * np.cos(2.0 * np.pi * n / length)


def _np_inverse_stft_window(frame_length, frame_step):
    window = _np_hann(frame_length)
    denom = window ** 2
    overlaps = -(-frame_length // frame_step)
    denom = np.pad(denom, (0, overlaps * frame_step - frame_length))
    denom = denom.reshape(overlaps, frame_step).sum(axis=0)
    denom = np.tile(denom, overlaps)[:frame_length]
    return window / denom


def _build_mats():
    k = np.arange(BINS, dtype=np.float64)
    l = np.arange(WINDOW, dtype=np.float64)
    ang = 2.0 * np.pi * np.outer(k, l) / NFFT
    a = np.full(BINS, 2.0)
    a[0] = 1.0
    a[BINS - 1] = 1.0
    winv = _np_inverse_stft_window(WINDOW, HOP)
    m1r = ((a[:, None] * np.cos(ang)) / NFFT) * winv[None, :]
    m1i = ((-a[:, None] * np.sin(ang)) / NFFT) * winv[None, :]
    h = _np_hann(WINDOW)
    m2r = np.cos(ang).T * h[:, None]
    m2i = -np.sin(ang).T * h[:, None]
    m2cat = np.concatenate([m2r, m2i], axis=1)
    return (np.asarray(m1r, np.float32), np.asarray(m1i, np.float32),
            np.asarray(m2cat, np.float32))


_M1R_NP, _M1I_NP, _M2CAT_NP = _build_mats()
_NB = 8


def _build_mask(cut_indices):
    mesh = plsc.VectorSubcoreMesh(core_axis_name="c", subcore_axis_name="s",
                                  num_cores=1)
    n_sub = 16
    chunk = SIG_PAD // n_sub
    idx_per = NUM_SAMPLES // n_sub

    @functools.partial(
        pl.kernel,
        mesh=mesh,
        out_type=jax.ShapeDtypeStruct((SIG_PAD,), jnp.float32),
        scratch_types=[
            pltpu.VMEM((chunk,), jnp.float32),
            pltpu.VMEM((n_sub, idx_per), jnp.int32),
            pltpu.VMEM((idx_per,), jnp.float32),
            pltpu.SemaphoreType.DMA,
        ],
    )
    def mask_kernel(cut_hbm, ones_hbm, zeros_hbm, out_hbm,
                    chunk_v, idx_v, zeros_v, sem):
        sid = lax.axis_index("s")
        base = sid * chunk
        pltpu.sync_copy(ones_hbm, chunk_v)
        pltpu.sync_copy(chunk_v, out_hbm.at[pl.ds(base, chunk)])
        pltpu.sync_copy(cut_hbm, idx_v)
        pltpu.sync_copy(zeros_hbm, zeros_v)
        plsc.subcore_barrier()
        pltpu.async_copy(zeros_v, out_hbm.at[idx_v.at[sid]], sem).wait()

    ones = jnp.ones((chunk,), jnp.float32)
    zeros = jnp.zeros((idx_per,), jnp.float32)
    return mask_kernel(cut_indices.reshape(n_sub, idx_per), ones, zeros)


_C00 = (((0,), (0,)), ((), ()))
_C01 = (((0,), (1,)), ((), ()))


def _tc1_body(x_ref, m1r_ref, m1i_ref, o_ref):
    re = jnp.concatenate([x_ref[i, :, 0, :] for i in range(_NB)], axis=1)
    im = jnp.concatenate([x_ref[i, :, 1, :] for i in range(_NB)], axis=1)
    fi = (lax.dot_general(re.astype(jnp.bfloat16), m1r_ref[...], _C00,
                          preferred_element_type=jnp.float32) +
          lax.dot_general(im.astype(jnp.bfloat16), m1i_ref[...], _C00,
                          preferred_element_type=jnp.float32))
    for i in range(_NB):
        fib = fi[FRAMES * i:FRAMES * (i + 1)]
        parts = []
        for j in range(4):
            seg = fib[:, 128 * j:128 * (j + 1)]
            pieces = [seg, jnp.zeros((8 - j, 128), jnp.float32)]
            if j:
                pieces.insert(0, jnp.zeros((j, 128), jnp.float32))
            parts.append(jnp.concatenate(pieces, axis=0))
        o_ref[i] = parts[0] + parts[1] + parts[2] + parts[3]


def _tc2_body(s_ref, m2_ref, mask_ref, o_ref):
    ys = []
    for i in range(_NB):
        z = s_ref[i] * mask_ref[...]
        ys.append(jnp.concatenate([z[j:j + 256, :] for j in range(4)], axis=1))
    y = jnp.concatenate(ys, axis=0).astype(jnp.bfloat16)
    ore = lax.dot_general(m2_ref[:, :BINS], y, _C01,
                          preferred_element_type=jnp.float32)
    oim = lax.dot_general(m2_ref[:, BINS:], y, _C01,
                          preferred_element_type=jnp.float32)
    for i in range(_NB):
        o_ref[i, :, 0, :] = ore[:, FRAMES * i:FRAMES * (i + 1)]
        o_ref[i, :, 1, :] = oim[:, FRAMES * i:FRAMES * (i + 1)]


def _tc_pipeline(x, m1r, m1i, m2, mask2d):
    s_all = pl.pallas_call(
        _tc1_body,
        grid=(BATCH // _NB,),
        in_specs=[
            pl.BlockSpec((_NB, BINS, 2, FRAMES), lambda b: (b, 0, 0, 0)),
            pl.BlockSpec((BINS, WINDOW), lambda b: (0, 0)),
            pl.BlockSpec((BINS, WINDOW), lambda b: (0, 0)),
        ],
        out_specs=pl.BlockSpec((_NB, ROWS_PAD, HOP), lambda b: (b, 0, 0)),
        out_shape=jax.ShapeDtypeStruct((BATCH, ROWS_PAD, HOP), jnp.float32),
    )(x, m1r, m1i)
    return pl.pallas_call(
        _tc2_body,
        grid=(BATCH // _NB,),
        in_specs=[
            pl.BlockSpec((_NB, ROWS_PAD, HOP), lambda b: (b, 0, 0)),
            pl.BlockSpec((WINDOW, 2 * BINS), lambda b: (0, 0)),
            pl.BlockSpec((ROWS_PAD, HOP), lambda b: (0, 0)),
        ],
        out_specs=pl.BlockSpec((_NB, BINS, 2, FRAMES), lambda b: (b, 0, 0, 0)),
        out_shape=jax.ShapeDtypeStruct((BATCH, BINS, 2, FRAMES), jnp.float32),
    )(s_all, m2, mask2d)


def kernel(inputs, cut_indices):
    x = inputs.transpose(0, 1, 3, 2)
    mask = _build_mask(cut_indices)
    o = _tc_pipeline(x, jnp.asarray(_M1R_NP, jnp.bfloat16),
                     jnp.asarray(_M1I_NP, jnp.bfloat16),
                     jnp.asarray(_M2CAT_NP, jnp.bfloat16),
                     mask.reshape(ROWS_PAD, HOP))
    return o.transpose(0, 1, 3, 2)

# --- scband reference (transcript-rebuilt; emitter-appended) ---
"""Pipeline reference for scband-cutting-samples-33311766347842 (READ-ONLY COPY).

The authoritative reference and input builder live on the scoring server;
editing this copy changes nothing except your own understanding.
"""

import jax, jax.numpy as jnp
import numpy as np

BATCH = 32
WINDOW_LENGTH = 512
HOP_LENGTH = 128
FFT_LENGTH = 512
FRAMES = 256
BINS = 257
SIG_LEN = (FRAMES - 1) * HOP_LENGTH + WINDOW_LENGTH  # 33152 == input_dim[0]
NUM_SAMPLES = 2048


def _hann(length):
    # TF periodic Hann window
    n = jnp.arange(length, dtype=jnp.float32)
    return 0.5 - 0.5 * jnp.cos(2.0 * jnp.pi * n / length)


def _inverse_stft_window(frame_length, frame_step):
    # Faithful port of tf.signal.inverse_stft_window_fn with Hann forward window
    window = _hann(frame_length)
    denom = window ** 2
    overlaps = -(-frame_length // frame_step)  # ceil div
    denom = jnp.pad(denom, (0, overlaps * frame_step - frame_length))
    denom = denom.reshape(overlaps, frame_step).sum(axis=0)
    denom = jnp.tile(denom, (overlaps,))[:frame_length]
    return window / denom


def _inverse_stft(stfts):
    # stfts: complex [B, frames, bins]
    frames = jnp.fft.irfft(stfts, n=FFT_LENGTH, axis=-1)[..., :WINDOW_LENGTH]
    frames = frames * _inverse_stft_window(WINDOW_LENGTH, HOP_LENGTH)
    B, F, L = frames.shape
    out_len = (F - 1) * HOP_LENGTH + L
    idx = jnp.arange(L)[None, :] + jnp.arange(F)[:, None] * HOP_LENGTH
    out = jnp.zeros((B, out_len), dtype=frames.dtype)
    out = out.at[:, idx].add(frames)  # overlap-and-add
    return out


def _stft(signals):
    # signals: [B, N]; TF stft with Hann window, pad_end=False
    B, N = signals.shape
    F = 1 + (N - WINDOW_LENGTH) // HOP_LENGTH
    idx = jnp.arange(WINDOW_LENGTH)[None, :] + jnp.arange(F)[:, None] * HOP_LENGTH
    frames = signals[:, idx] * _hann(WINDOW_LENGTH)
    return jnp.fft.rfft(frames, n=FFT_LENGTH, axis=-1)


def setup_inputs(seed: int = 0) -> dict:
    key = jax.random.key(seed)
    k1, k2 = jax.random.split(key)
    inputs = jax.random.normal(k1, (BATCH, BINS, FRAMES, 2), dtype=jnp.float32)
    # unique sampled cut positions (replaces tf.random.uniform_candidate_sampler)
    cut_indices = jax.random.choice(k2, SIG_LEN, shape=(NUM_SAMPLES,), replace=False)
    return {"inputs": inputs, "cut_indices": cut_indices.astype(jnp.int32)}


def reference(inputs, cut_indices):
    stfts = jax.lax.complex(inputs[:, :, :, 0], inputs[:, :, :, 1])  # [B, bins, frames]
    stfts = jnp.transpose(stfts, (0, 2, 1))  # [B, frames, bins]
    signals = _inverse_stft(stfts)  # [B, SIG_LEN]
    # zero out the sampled positions (same indices replicated across batch,
    # matching tf.tile of sampled_candidates in the original)
    signals = signals.at[:, cut_indices].set(0.0)
    res = _stft(signals)  # [B, frames, bins] complex
    res = jnp.transpose(res, (0, 2, 1))  # [B, bins, frames]
    return jnp.stack([jnp.real(res), jnp.imag(res)], axis=-1)

if __name__ == "__main__":
    import jax
    _d = setup_inputs()
    print(jax.jit(kernel)(*tuple(_d.values())))

</pallas_src>

<mosaic_0001>
#map = affine_map<(d0, d1) -> (0, 0)>
#map1 = affine_map<(d0, d1) -> (0)>
module attributes {stable_mosaic.version = 14 : i64} {
  func.func @mask_kernel(%arg0: i32, %arg1: i32, %arg2: memref<16x128xi32, #tpu.memory_space<hbm>>, %arg3: memref<2112xf32, #tpu.memory_space<hbm>>, %arg4: memref<128xf32, #tpu.memory_space<hbm>>, %arg5: memref<33792xf32, #tpu.memory_space<hbm>>, %arg6: memref<2112xf32, #tpu.memory_space<vmem>>, %arg7: memref<16x128xi32, #tpu.memory_space<vmem>>, %arg8: memref<128xf32, #tpu.memory_space<vmem>>, %arg9: memref<!tpu.dma_semaphore, #tpu.memory_space<semaphore_mem>>) attributes {dimension_semantics = [#tpu.dimension_semantics<core_parallel>, #tpu.dimension_semantics<subcore_parallel>], iteration_bounds = array<i64: 1, 16>, scalar_prefetch = 0 : i64, scratch_operands = 4 : i64, tpu.core_type = #tpu.core_type<sc_vector_subcore>, window_params = [{transform_indices = #map}, {transform_indices = #map1}, {transform_indices = #map1}, {transform_indices = #map1}]} {
    %mul3A = arith.constant 2112 : i32
    %mul3A_0 = arith.muli %arg1, %mul3A : i32
    "tpu.region"() ({
      %run_scoped3A = tpu.sem_alloc : memref<!tpu.dma_semaphore, #tpu.memory_space<semaphore_mem>>
      tpu.enqueue_dma source(%arg3 : memref<2112xf32, #tpu.memory_space<hbm>>) target(%arg6 : memref<2112xf32, #tpu.memory_space<vmem>>) target_semaphore(%run_scoped3A : memref<!tpu.dma_semaphore, #tpu.memory_space<semaphore_mem>>)
      tpu.wait_dma2 semaphore(%run_scoped3A : memref<!tpu.dma_semaphore, #tpu.memory_space<semaphore_mem>>) src(%arg3 : memref<2112xf32, #tpu.memory_space<hbm>>) dst(%arg6 : memref<2112xf32, #tpu.memory_space<vmem>>)
      tpu.yield
    }) : () -> ()
    "tpu.region"() ({
      %run_scoped3A = tpu.sem_alloc : memref<!tpu.dma_semaphore, #tpu.memory_space<semaphore_mem>>
      %dma_start3A_9 = tpu.memref_slice %arg5[%mul3A_0] : memref<33792xf32, #tpu.memory_space<hbm>> -> memref<2112xf32, #tpu.memory_space<hbm>>
      %dma_start3A_10 = tpu.memref_slice %arg5[%mul3A_0] : memref<33792xf32, #tpu.memory_space<hbm>> -> memref<2112xf32, #tpu.memory_space<hbm>>
      tpu.enqueue_dma source(%arg6 : memref<2112xf32, #tpu.memory_space<vmem>>) target(%dma_start3A_10 : memref<2112xf32, #tpu.memory_space<hbm>>) target_semaphore(%run_scoped3A : memref<!tpu.dma_semaphore, #tpu.memory_space<semaphore_mem>>)
      %dma_wait3A_11 = tpu.memref_slice %arg5[%mul3A_0] : memref<33792xf32, #tpu.memory_space<hbm>> -> memref<2112xf32, #tpu.memory_space<hbm>>
      %dma_wait3A_12 = tpu.memref_slice %arg5[%mul3A_0] : memref<33792xf32, #tpu.memory_space<hbm>> -> memref<2112xf32, #tpu.memory_space<hbm>>
      tpu.wait_dma2 semaphore(%run_scoped3A : memref<!tpu.dma_semaphore, #tpu.memory_space<semaphore_mem>>) src(%arg6 : memref<2112xf32, #tpu.memory_space<vmem>>) dst(%dma_wait3A_12 : memref<2112xf32, #tpu.memory_space<hbm>>)
      tpu.yield
    }) : () -> ()
    "tpu.region"() ({
      %run_scoped3A = tpu.sem_alloc : memref<!tpu.dma_semaphore, #tpu.memory_space<semaphore_mem>>
      tpu.enqueue_dma source(%arg2 : memref<16x128xi32, #tpu.memory_space<hbm>>) target(%arg7 : memref<16x128xi32, #tpu.memory_space<vmem>>) target_semaphore(%run_scoped3A : memref<!tpu.dma_semaphore, #tpu.memory_space<semaphore_mem>>)
      tpu.wait_dma2 semaphore(%run_scoped3A : memref<!tpu.dma_semaphore, #tpu.memory_space<semaphore_mem>>) src(%arg2 : memref<16x128xi32, #tpu.memory_space<hbm>>) dst(%arg7 : memref<16x128xi32, #tpu.memory_space<vmem>>)
      tpu.yield
    }) : () -> ()
    "tpu.region"() ({
      %run_scoped3A = tpu.sem_alloc : memref<!tpu.dma_semaphore, #tpu.memory_space<semaphore_mem>>
      tpu.enqueue_dma source(%arg4 : memref<128xf32, #tpu.memory_space<hbm>>) target(%arg8 : memref<128xf32, #tpu.memory_space<vmem>>) target_semaphore(%run_scoped3A : memref<!tpu.dma_semaphore, #tpu.memory_space<semaphore_mem>>)
      tpu.wait_dma2 semaphore(%run_scoped3A : memref<!tpu.dma_semaphore, #tpu.memory_space<semaphore_mem>>) src(%arg4 : memref<128xf32, #tpu.memory_space<hbm>>) dst(%arg8 : memref<128xf32, #tpu.memory_space<vmem>>)
      tpu.yield
    }) : () -> ()
    %barrier3A = arith.constant 0 : index
    tpu.barrier barrier_id(%barrier3A)
    %dma_start3A = arith.constant 0 : i32
    %dma_start3A_1 = tpu.memref_slice %arg7[%arg1, %dma_start3A] : memref<16x128xi32, #tpu.memory_space<vmem>> -> memref<1x128xi32, #tpu.memory_space<vmem>>
    %dma_start3A_2 = tpu.memref_squeeze %dma_start3A_1 : memref<1x128xi32, #tpu.memory_space<vmem>> -> memref<128xi32, #tpu.memory_space<vmem>>
    %dma_start3A_3 = arith.constant 0 : i32
    %dma_start3A_4 = tpu.memref_slice %arg5[%dma_start3A_3] : memref<33792xf32, #tpu.memory_space<hbm>> -> memref<33792xf32, #tpu.memory_space<hbm>>
    tpu.enqueue_indirect_dma source(%arg8 : memref<128xf32, #tpu.memory_space<vmem>>) target(%dma_start3A_4 : memref<33792xf32, #tpu.memory_space<hbm>>) offsets(%dma_start3A_2 : memref<128xi32, #tpu.memory_space<vmem>>) semaphore(%arg9 : memref<!tpu.dma_semaphore, #tpu.memory_space<semaphore_mem>>)
    %dma_wait3A = arith.constant 0 : i32
    %dma_wait3A_5 = tpu.memref_slice %arg7[%arg1, %dma_wait3A] : memref<16x128xi32, #tpu.memory_space<vmem>> -> memref<1x128xi32, #tpu.memory_space<vmem>>
    %dma_wait3A_6 = tpu.memref_squeeze %dma_wait3A_5 : memref<1x128xi32, #tpu.memory_space<vmem>> -> memref<128xi32, #tpu.memory_space<vmem>>
    %dma_wait3A_7 = arith.constant 0 : i32
    %dma_wait3A_8 = tpu.memref_slice %arg5[%dma_wait3A_7] : memref<33792xf32, #tpu.memory_space<hbm>> -> memref<33792xf32, #tpu.memory_space<hbm>>
    tpu.wait_indirect_dma semaphore(%arg9 : memref<!tpu.dma_semaphore, #tpu.memory_space<semaphore_mem>>) src(%arg8 : memref<128xf32, #tpu.memory_space<vmem>>) dst(%dma_wait3A_8 : memref<33792xf32, #tpu.memory_space<hbm>>)
    return
  }
}

module attributes {stable_mosaic.version = 14 : i64} {
  func.func @_tc1_body(%arg0: i32, %arg1: memref<8x257x2x256xf32, #tpu.memory_space<vmem>>, %arg2: memref<257x512xbf16, #tpu.memory_space<vmem>>, %arg3: memref<257x512xbf16, #tpu.memory_space<vmem>>, %arg4: memref<8x264x128xf32, #tpu.memory_space<vmem>>) attributes {dimension_semantics = [#tpu.dimension_semantics<arbitrary>], iteration_bounds = array<i64: 4>, scalar_prefetch = 0 : i64, scratch_operands = 0 : i64, tpu.core_type = #tpu.core_type<tc>, window_params = [{transform_indices = @transform_0, window_bounds = array<i64: 8, 257, 2, 256>}, {pipeline_mode = #tpu.pipeline_mode<synchronous>, transform_indices = @transform_1, window_bounds = array<i64: 257, 512>}, {pipeline_mode = #tpu.pipeline_mode<synchronous>, transform_indices = @transform_2, window_bounds = array<i64: 257, 512>}, {transform_indices = @transform_3, window_bounds = array<i64: 8, 264, 128>}]} {
    %get3A = arith.constant 0 : index
    %get3A_0 = arith.constant 0 : index
    %get3A_1 = arith.constant 0 : index
    %get3A_2 = arith.constant 0 : index
    %get3A_3 = vector.load %arg1[%get3A, %get3A_0, %get3A_1, %get3A_2] : memref<8x257x2x256xf32, #tpu.memory_space<vmem>>, vector<1x257x1x256xf32>
    %get3A_4 = vector.shape_cast %get3A_3 : vector<1x257x1x256xf32> to vector<257x256xf32>
    %get3A_5 = arith.constant 1 : index
    %get3A_6 = arith.constant 0 : index
    %get3A_7 = arith.constant 0 : index
    %get3A_8 = arith.constant 0 : index
    %get3A_9 = vector.load %arg1[%get3A_5, %get3A_6, %get3A_7, %get3A_8] : memref<8x257x2x256xf32, #tpu.memory_space<vmem>>, vector<1x257x1x256xf32>
    %get3A_10 = vector.shape_cast %get3A_9 : vector<1x257x1x256xf32> to vector<257x256xf32>
    %get3A_11 = arith.constant 2 : index
    %get3A_12 = arith.constant 0 : index
    %get3A_13 = arith.constant 0 : index
    %get3A_14 = arith.constant 0 : index
    %get3A_15 = vector.load %arg1[%get3A_11, %get3A_12, %get3A_13, %get3A_14] : memref<8x257x2x256xf32, #tpu.memory_space<vmem>>, vector<1x257x1x256xf32>
    %get3A_16 = vector.shape_cast %get3A_15 : vector<1x257x1x256xf32> to vector<257x256xf32>
    %get3A_17 = arith.constant 3 : index
    %get3A_18 = arith.constant 0 : index
    %get3A_19 = arith.constant 0 : index
    %get3A_20 = arith.constant 0 : index
    %get3A_21 = vector.load %arg1[%get3A_17, %get3A_18, %get3A_19, %get3A_20] : memref<8x257x2x256xf32, #tpu.memory_space<vmem>>, vector<1x257x1x256xf32>
    %get3A_22 = vector.shape_cast %get3A_21 : vector<1x257x1x256xf32> to vector<257x256xf32>
    %get3A_23 = arith.constant 4 : index
    %get3A_24 = arith.constant 0 : index
    %get3A_25 = arith.constant 0 : index
    %get3A_26 = arith.constant 0 : index
    %get3A_27 = vector.load %arg1[%get3A_23, %get3A_24, %get3A_25, %get3A_26] : memref<8x257x2x256xf32, #tpu.memory_space<vmem>>, vector<1x257x1x256xf32>
    %get3A_28 = vector.shape_cast %get3A_27 : vector<1x257x1x256xf32> to vector<257x256xf32>
    %get3A_29 = arith.constant 5 : index
    %get3A_30 = arith.constant 0 : index
    %get3A_31 = arith.constant 0 : index
    %get3A_32 = arith.constant 0 : index
    %get3A_33 = vector.load %arg1[%get3A_29, %get3A_30, %get3A_31, %get3A_32] : memref<8x257x2x256xf32, #tpu.memory_space<vmem>>, vector<1x257x1x256xf32>
    %get3A_34 = vector.shape_cast %get3A_33 : vector<1x257x1x256xf32> to vector<257x256xf32>
    %get3A_35 = arith.constant 6 : index
    %get3A_36 = arith.constant 0 : index
    %get3A_37 = arith.constant 0 : index
    %get3A_38 = arith.constant 0 : index
    %get3A_39 = vector.load %arg1[%get3A_35, %get3A_36, %get3A_37, %get3A_38] : memref<8x257x2x256xf32, #tpu.memory_space<vmem>>, vector<1x257x1x256xf32>
    %get3A_40 = vector.shape_cast %get3A_39 : vector<1x257x1x256xf32> to vector<257x256xf32>
    %get3A_41 = arith.constant 7 : index
    %get3A_42 = arith.constant 0 : index
    %get3A_43 = arith.constant 0 : index
    %get3A_44 = arith.constant 0 : index
    %get3A_45 = vector.load %arg1[%get3A_41, %get3A_42, %get3A_43, %get3A_44] : memref<8x257x2x256xf32, #tpu.memory_space<vmem>>, vector<1x257x1x256xf32>
    %get3A_46 = vector.shape_cast %get3A_45 : vector<1x257x1x256xf32> to vector<257x256xf32>
    %concatenate3A = tpu.concatenate %get3A_4, %get3A_10, %get3A_16, %get3A_22, %get3A_28, %get3A_34, %get3A_40, %get3A_46 in 1 : vector<257x256xf32>, vector<257x256xf32>, vector<257x256xf32>, vector<257x256xf32>, vector<257x256xf32>, vector<257x256xf32>, vector<257x256xf32>, vector<257x256xf32> -> vector<257x2048xf32>
    %get3A_47 = arith.constant 0 : index
    %get3A_48 = arith.constant 0 : index
    %get3A_49 = arith.constant 1 : index
    %get3A_50 = arith.constant 0 : index
    %get3A_51 = vector.load %arg1[%get3A_47, %get3A_48, %get3A_49, %get3A_50] : memref<8x257x2x256xf32, #tpu.memory_space<vmem>>, vector<1x257x1x256xf32>
    %get3A_52 = vector.shape_cast %get3A_51 : vector<1x257x1x256xf32> to vector<257x256xf32>
    %get3A_53 = arith.constant 1 : index
    %get3A_54 = arith.constant 0 : index
    %get3A_55 = arith.constant 1 : index
    %get3A_56 = arith.constant 0 : index
    %get3A_57 = vector.load %arg1[%get3A_53, %get3A_54, %get3A_55, %get3A_56] : memref<8x257x2x256xf32, #tpu.memory_space<vmem>>, vector<1x257x1x256xf32>
    %get3A_58 = vector.shape_cast %get3A_57 : vector<1x257x1x256xf32> to vector<257x256xf32>
    %get3A_59 = arith.constant 2 : index
    %get3A_60 = arith.constant 0 : index
    %get3A_61 = arith.constant 1 : index
    %get3A_62 = arith.constant 0 : index
    %get3A_63 = vector.load %arg1[%get3A_59, %get3A_60, %get3A_61, %get3A_62] : memref<8x257x2x256xf32, #tpu.memory_space<vmem>>, vector<1x257x1x256xf32>
    %get3A_64 = vector.shape_cast %get3A_63 : vector<1x257x1x256xf32> to vector<257x256xf32>
    %get3A_65 = arith.constant 3 : index
    %get3A_66 = arith.constant 0 : index
    %get3A_67 = arith.constant 1 : index
    %get3A_68 = arith.constant 0 : index
    %get3A_69 = vector.load %arg1[%get3A_65, %get3A_66, %get3A_67, %get3A_68] : memref<8x257x2x256xf32, #tpu.memory_space<vmem>>, vector<1x257x1x256xf32>
    %get3A_70 = vector.shape_cast %get3A_69 : vector<1x257x1x256xf32> to vector<257x256xf32>
    %get3A_71 = arith.constant 4 : index
    %get3A_72 = arith.constant 0 : index
    %get3A_73 = arith.constant 1 : index
    %get3A_74 = arith.constant 0 : index
    %get3A_75 = vector.load %arg1[%get3A_71, %get3A_72, %get3A_73, %get3A_74] : memref<8x257x2x256xf32, #tpu.memory_space<vmem>>, vector<1x257x1x256xf32>
    %get3A_76 = vector.shape_cast %get3A_75 : vector<1x257x1x256xf32> to vector<257x256xf32>
    %get3A_77 = arith.constant 5 : index
    %get3A_78 = arith.constant 0 : index
    %get3A_79 = arith.constant 1 : index
    %get3A_80 = arith.constant 0 : index
    %get3A_81 = vector.load %arg1[%get3A_77, %get3A_78, %get3A_79, %get3A_80] : memref<8x257x2x256xf32, #tpu.memory_space<vmem>>, vector<1x257x1x256xf32>
    %get3A_82 = vector.shape_cast %get3A_81 : vector<1x257x1x256xf32> to vector<257x256xf32>
    %get3A_83 = arith.constant 6 : index
    %get3A_84 = arith.constant 0 : index
    %get3A_85 = arith.constant 1 : index
    %get3A_86 = arith.constant 0 : index
    %get3A_87 = vector.load %arg1[%get3A_83, %get3A_84, %get3A_85, %get3A_86] : memref<8x257x2x256xf32, #tpu.memory_space<vmem>>, vector<1x257x1x256xf32>
    %get3A_88 = vector.shape_cast %get3A_87 : vector<1x257x1x256xf32> to vector<257x256xf32>
    %get3A_89 = arith.constant 7 : index
    %get3A_90 = arith.constant 0 : index
    %get3A_91 = arith.constant 1 : index
    %get3A_92 = arith.constant 0 : index
    %get3A_93 = vector.load %arg1[%get3A_89, %get3A_90, %get3A_91, %get3A_92] : memref<8x257x2x256xf32, #tpu.memory_space<vmem>>, vector<1x257x1x256xf32>
    %get3A_94 = vector.shape_cast %get3A_93 : vector<1x257x1x256xf32> to vector<257x256xf32>
    %concatenate3A_95 = tpu.concatenate %get3A_52, %get3A_58, %get3A_64, %get3A_70, %get3A_76, %get3A_82, %get3A_88, %get3A_94 in 1 : vector<257x256xf32>, vector<257x256xf32>, vector<257x256xf32>, vector<257x256xf32>, vector<257x256xf32>, vector<257x256xf32>, vector<257x256xf32>, vector<257x256xf32> -> vector<257x2048xf32>
    %convert_element_type3A = arith.truncf %concatenate3A : vector<257x2048xf32> to vector<257x2048xbf16>
    %get3A_96 = arith.constant 0 : index
    %get3A_97 = arith.constant 0 : index
    %get3A_98 = vector.load %arg2[%get3A_96, %get3A_97] : memref<257x512xbf16, #tpu.memory_space<vmem>>, vector<257x512xbf16>
    %dot_general3A = arith.constant dense<0.000000e+00> : vector<2048x512xf32>
    %dot_general3A_99 = tpu.matmul %convert_element_type3A, %get3A_98, %dot_general3A {dimension_numbers = #tpu.dot_dimension_numbers<[0], [0], [1], [1], [0, 1, 1, 1], [], []>, transpose_lhs_hint = false} : vector<257x2048xbf16>, vector<257x512xbf16>, vector<2048x512xf32> -> vector<2048x512xf32>
    %convert_element_type3A_100 = arith.truncf %concatenate3A_95 : vector<257x2048xf32> to vector<257x2048xbf16>
    %get3A_101 = arith.constant 0 : index
    %get3A_102 = arith.constant 0 : index
    %get3A_103 = vector.load %arg3[%get3A_101, %get3A_102] : memref<257x512xbf16, #tpu.memory_space<vmem>>, vector<257x512xbf16>
    %dot_general3A_104 = arith.constant dense<0.000000e+00> : vector<2048x512xf32>
    %dot_general3A_105 = tpu.matmul %convert_element_type3A_100, %get3A_103, %dot_general3A_104 {dimension_numbers = #tpu.dot_dimension_numbers<[0], [0], [1], [1], [0, 1, 1, 1], [], []>, transpose_lhs_hint = false} : vector<257x2048xbf16>, vector<257x512xbf16>, vector<2048x512xf32> -> vector<2048x512xf32>
    %add3A = arith.addf %dot_general3A_99, %dot_general3A_105 : vector<2048x512xf32>
    %slice3A = vector.extract_strided_slice %add3A {offsets = [0, 0], sizes = [256, 512], strides = [1, 1]} : vector<2048x512xf32> to vector<256x512xf32>
    %slice3A_106 = vector.extract_strided_slice %slice3A {offsets = [0, 0], sizes = [256, 128], strides = [1, 1]} : vector<256x512xf32> to vector<256x128xf32>
    %broadcast_in_dim3A = arith.constant 0.000000e+00 : f32
    %broadcast_in_dim3A_107 = vector.broadcast %broadcast_in_dim3A : f32 to vector<8x128xf32>
    %concatenate3A_108 = tpu.concatenate %slice3A_106, %broadcast_in_dim3A_107 in 0 : vector<256x128xf32>, vector<8x128xf32> -> vector<264x128xf32>
    %slice3A_109 = vector.extract_strided_slice %slice3A {offsets = [0, 128], sizes = [256, 128], strides = [1, 1]} : vector<256x512xf32> to vector<256x128xf32>
    %broadcast_in_dim3A_110 = arith.constant 0.000000e+00 : f32
    %broadcast_in_dim3A_111 = vector.broadcast %broadcast_in_dim3A_110 : f32 to vector<7x128xf32>
    %broadcast_in_dim3A_112 = arith.constant 0.000000e+00 : f32
    %broadcast_in_dim3A_113 = vector.broadcast %broadcast_in_dim3A_112 : f32 to vector<1x128xf32>
    %concatenate3A_114 = tpu.concatenate %broadcast_in_dim3A_113, %slice3A_109, %broadcast_in_dim3A_111 in 0 : vector<1x128xf32>, vector<256x128xf32>, vector<7x128xf32> -> vector<264x128xf32>
    %slice3A_115 = vector.extract_strided_slice %slice3A {offsets = [0, 256], sizes = [256, 128], strides = [1, 1]} : vector<256x512xf32> to vector<256x128xf32>
    %broadcast_in_dim3A_116 = arith.constant 0.000000e+00 : f32
    %broadcast_in_dim3A_117 = vector.broadcast %broadcast_in_dim3A_116 : f32 to vector<6x128xf32>
    %broadcast_in_dim3A_118 = arith.constant 0.000000e+00 : f32
    %broadcast_in_dim3A_119 = vector.broadcast %broadcast_in_dim3A_118 : f32 to vector<2x128xf32>
    %concatenate3A_120 = tpu.concatenate %broadcast_in_dim3A_119, %slice3A_115, %broadcast_in_dim3A_117 in 0 : vector<2x128xf32>, vector<256x128xf32>, vector<6x128xf32> -> vector<264x128xf32>
    %slice3A_121 = vector.extract_strided_slice %slice3A {offsets = [0, 384], sizes = [256, 128], strides = [1, 1]} : vector<256x512xf32> to vector<256x128xf32>
    %broadcast_in_dim3A_122 = arith.constant 0.000000e+00 : f32
    %broadcast_in_dim3A_123 = vector.broadcast %broadcast_in_dim3A_122 : f32 to vector<5x128xf32>
    %broadcast_in_dim3A_124 = arith.constant 0.000000e+00 : f32
    %broadcast_in_dim3A_125 = vector.broadcast %broadcast_in_dim3A_124 : f32 to vector<3x128xf32>
    %concatenate3A_126 = tpu.concatenate %broadcast_in_dim3A_125, %slice3A_121, %broadcast_in_dim3A_123 in 0 : vector<3x128xf32>, vector<256x128xf32>, vector<5x128xf32> -> vector<264x128xf32>
    %add3A_127 = arith.addf %concatenate3A_108, %concatenate3A_114 : vector<264x128xf32>
    %add3A_128 = arith.addf %add3A_127, %concatenate3A_120 : vector<264x128xf32>
    %add3A_129 = arith.addf %add3A_128, %concatenate3A_126 : vector<264x128xf32>
    %swap3A = arith.constant 0 : index
    %swap3A_130 = arith.constant 0 : index
    %swap3A_131 = arith.constant 0 : index
    %swap3A_132 = vector.load %arg4[%swap3A, %swap3A_130, %swap3A_131] : memref<8x264x128xf32, #tpu.memory_space<vmem>>, vector<1x264x128xf32>
    %swap3A_133 = vector.shape_cast %swap3A_132 : vector<1x264x128xf32> to vector<264x128xf32>
    %swap3A_134 = vector.shape_cast %add3A_129 : vector<264x128xf32> to vector<1x264x128xf32>
    tpu.vector_store %arg4[%swap3A, %swap3A_130, %swap3A_131], %swap3A_134 {strides = array<i32>} : memref<8x264x128xf32, #tpu.memory_space<vmem>>, vector<1x264x128xf32>,
    %slice3A_135 = vector.extract_strided_slice %add3A {offsets = [256, 0], sizes = [256, 512], strides = [1, 1]} : vector<2048x512xf32> to vector<256x512xf32>
    %slice3A_136 = vector.extract_strided_slice %slice3A_135 {offsets = [0, 0], sizes = [256, 128], strides = [1, 1]} : vector<256x512xf32> to vector<256x128xf32>
    %broadcast_in_dim3A_137 = arith.constant 0.000000e+00 : f32
    %broadcast_in_dim3A_138 = vector.broadcast %broadcast_in_dim3A_137 : f32 to vector<8x128xf32>
    %concatenate3A_139 = tpu.concatenate %slice3A_136, %broadcast_in_dim3A_138 in 0 : vector<256x128xf32>, vector<8x128xf32> -> vector<264x128xf32>
    %slice3A_140 = vector.extract_strided_slice %slice3A_135 {offsets = [0, 128], sizes = [256, 128], strides = [1, 1]} : vector<256x512xf32> to vector<256x128xf32>
    %broadcast_in_dim3A_141 = arith.constant 0.000000e+00 : f32
    %broadcast_in_dim3A_142 = vector.broadcast %broadcast_in_dim3A_141 : f32 to vector<7x128xf32>
    %broadcast_in_dim3A_143 = arith.constant 0.000000e+00 : f32
    %broadcast_in_dim3A_144 = vector.broadcast %broadcast_in_dim3A_143 : f32 to vector<1x128xf32>
    %concatenate3A_145 = tpu.concatenate %broadcast_in_dim3A_144, %slice3A_140, %broadcast_in_dim3A_142 in 0 : vector<1x128xf32>, vector<256x128xf32>, vector<7x128xf32> -> vector<264x128xf32>
    %slice3A_146 = vector.extract_strided_slice %slice3A_135 {offsets = [0, 256], sizes = [256, 128], strides = [1, 1]} : vector<256x512xf32> to vector<256x128xf32>
    %broadcast_in_dim3A_147 = arith.constant 0.000000e+00 : f32
    %broadcast_in_dim3A_148 = vector.broadcast %broadcast_in_dim3A_147 : f32 to vector<6x128xf32>
    %broadcast_in_dim3A_149 = arith.constant 0.000000e+00 : f32
    %broadcast_in_dim3A_150 = vector.broadcast %broadcast_in_dim3A_149 : f32 to vector<2x128xf32>
    %concatenate3A_151 = tpu.concatenate %broadcast_in_dim3A_150, %slice3A_146, %broadcast_in_dim3A_148 in 0 : vector<2x128xf32>, vector<256x128xf32>, vector<6x128xf32> -> vector<264x128xf32>
    %slice3A_152 = vector.extract_strided_slice %slice3A_135 {offsets = [0, 384], sizes = [256, 128], strides = [1, 1]} : vector<256x512xf32> to vector<256x128xf32>
    %broadcast_in_dim3A_153 = arith.constant 0.000000e+00 : f32
    %broadcast_in_dim3A_154 = vector.broadcast %broadcast_in_dim3A_153 : f32 to vector<5x128xf32>
    %broadcast_in_dim3A_155 = arith.constant 0.000000e+00 : f32
    %broadcast_in_dim3A_156 = vector.broadcast %broadcast_in_dim3A_155 : f32 to vector<3x128xf32>
    %concatenate3A_157 = tpu.concatenate %broadcast_in_dim3A_156, %slice3A_152, %broadcast_in_dim3A_154 in 0 : vector<3x128xf32>, vector<256x128xf32>, vector<5x128xf32> -> vector<264x128xf32>
    %add3A_158 = arith.addf %concatenate3A_139, %concatenate3A_145 : vector<264x128xf32>
    %add3A_159 = arith.addf %add3A_158, %concatenate3A_151 : vector<264x128xf32>
    %add3A_160 = arith.addf %add3A_159, %concatenate3A_157 : vector<264x128xf32>
    %swap3A_161 = arith.constant 1 : index
    %swap3A_162 = arith.constant 0 : index
    %swap3A_163 = arith.constant 0 : index
    %swap3A_164 = vector.load %arg4[%swap3A_161, %swap3A_162, %swap3A_163] : memref<8x264x128xf32, #tpu.memory_space<vmem>>, vector<1x264x128xf32>
    %swap3A_165 = vector.shape_cast %swap3A_164 : vector<1x264x128xf32> to vector<264x128xf32>
    %swap3A_166 = vector.shape_cast %add3A_160 : vector<264x128xf32> to vector<1x264x128xf32>
    tpu.vector_store %arg4[%swap3A_161, %swap3A_162, %swap3A_163], %swap3A_166 {strides = array<i32>} : memref<8x264x128xf32, #tpu.memory_space<vmem>>, vector<1x264x128xf32>,
    %slice3A_167 = vector.extract_strided_slice %add3A {offsets = [512, 0], sizes = [256, 512], strides = [1, 1]} : vector<2048x512xf32> to vector<256x512xf32>
    %slice3A_168 = vector.extract_strided_slice %slice3A_167 {offsets = [0, 0], sizes = [256, 128], strides = [1, 1]} : vector<256x512xf32> to vector<256x128xf32>
    %broadcast_in_dim3A_169 = arith.constant 0.000000e+00 : f32
    %broadcast_in_dim3A_170 = vector.broadcast %broadcast_in_dim3A_169 : f32 to vector<8x128xf32>
    %concatenate3A_171 = tpu.concatenate %slice3A_168, %broadcast_in_dim3A_170 in 0 : vector<256x128xf32>, vector<8x128xf32> -> vector<264x128xf32>
    %slice3A_172 = vector.extract_strided_slice %slice3A_167 {offsets = [0, 128], sizes = [256, 128], strides = [1, 1]} : vector<256x512xf32> to vector<256x128xf32>
    %broadcast_in_dim3A_173 = arith.constant 0.000000e+00 : f32
    %broadcast_in_dim3A_174 = vector.broadcast %broadcast_in_dim3A_173 : f32 to vector<7x128xf32>
    %broadcast_in_dim3A_175 = arith.constant 0.000000e+00 : f32
    %broadcast_in_dim3A_176 = vector.broadcast %broadcast_in_dim3A_175 : f32 to vector<1x128xf32>
    %concatenate3A_177 = tpu.concatenate %broadcast_in_dim3A_176, %slice3A_172, %broadcast_in_dim3A_174 in 0 : vector<1x128xf32>, vector<256x128xf32>, vector<7x128xf32> -> vector<264x128xf32>
    %slice3A_178 = vector.extract_strided_slice %slice3A_167 {offsets = [0, 256], sizes = [256, 128], strides = [1, 1]} : vector<256x512xf32> to vector<256x128xf32>
    %broadcast_in_dim3A_179 = arith.constant 0.000000e+00 : f32
    %broadcast_in_dim3A_180 = vector.broadcast %broadcast_in_dim3A_179 : f32 to vector<6x128xf32>
    %broadcast_in_dim3A_181 = arith.constant 0.000000e+00 : f32
    %broadcast_in_dim3A_182 = vector.broadcast %broadcast_in_dim3A_181 : f32 to vector<2x128xf32>
    %concatenate3A_183 = tpu.concatenate %broadcast_in_dim3A_182, %slice3A_178, %broadcast_in_dim3A_180 in 0 : vector<2x128xf32>, vector<256x128xf32>, vector<6x128xf32> -> vector<264x128xf32>
    %slice3A_184 = vector.extract_strided_slice %slice3A_167 {offsets = [0, 384], sizes = [256, 128], strides = [1, 1]} : vector<256x512xf32> to vector<256x128xf32>
    %broadcast_in_dim3A_185 = arith.constant 0.000000e+00 : f32
    %broadcast_in_dim3A_186 = vector.broadcast %broadcast_in_dim3A_185 : f32 to vector<5x128xf32>
    %broadcast_in_dim3A_187 = arith.constant 0.000000e+00 : f32
    %broadcast_in_dim3A_188 = vector.broadcast %broadcast_in_dim3A_187 : f32 to vector<3x128xf32>
    %concatenate3A_189 = tpu.concatenate %broadcast_in_dim3A_188, %slice3A_184, %broadcast_in_dim3A_186 in 0 : vector<3x128xf32>, vector<256x128xf32>, vector<5x128xf32> -> vector<264x128xf32>
    %add3A_190 = arith.addf %concatenate3A_171, %concatenate3A_177 : vector<264x128xf32>
    %add3A_191 = arith.addf %add3A_190, %concatenate3A_183 : vector<264x128xf32>
    %add3A_192 = arith.addf %add3A_191, %concatenate3A_189 : vector<264x128xf32>
    %swap3A_193 = arith.constant 2 : index
    %swap3A_194 = arith.constant 0 : index
    %swap3A_195 = arith.constant 0 : index
    %swap3A_196 = vector.load %arg4[%swap3A_193, %swap3A_194, %swap3A_195] : memref<8x264x128xf32, #tpu.memory_space<vmem>>, vector<1x264x128xf32>
    %swap3A_197 = vector.shape_cast %swap3A_196 : vector<1x264x128xf32> to vector<264x128xf32>
    %swap3A_198 = vector.shape_cast %add3A_192 : vector<264x128xf32> to vector<1x264x128xf32>
    tpu.vector_store %arg4[%swap3A_193, %swap3A_194, %swap3A_195], %swap3A_198 {strides = array<i32>} : memref<8x264x128xf32, #tpu.memory_space<vmem>>, vector<1x264x128xf32>,
    %slice3A_199 = vector.extract_strided_slice %add3A {offsets = [768, 0], sizes = [256, 512], strides = [1, 1]} : vector<2048x512xf32> to vector<256x512xf32>
    %slice3A_200 = vector.extract_strided_slice %slice3A_199 {offsets = [0, 0], sizes = [256, 128], strides = [1, 1]} : vector<256x512xf32> to vector<256x128xf32>
    %broadcast_in_dim3A_201 = arith.constant 0.000000e+00 : f32
    %broadcast_in_dim3A_202 = vector.broadcast %broadcast_in_dim3A_201 : f32 to vector<8x128xf32>
    %concatenate3A_203 = tpu.concatenate %slice3A_200, %broadcast_in_dim3A_202 in 0 : vector<256x128xf32>, vector<8x128xf32> -> vector<264x128xf32>
    %slice3A_204 = vector.extract_strided_slice %slice3A_199 {offsets = [0, 128], sizes = [256, 128], strides = [1, 1]} : vector<256x512xf32> to vector<256x128xf32>
    %broadcast_in_dim3A_205 = arith.constant 0.000000e+00 : f32
    %broadcast_in_dim3A_206 = vector.broadcast %broadcast_in_dim3A_205 : f32 to vector<7x128xf32>
    %broadcast_in_dim3A_207 = arith.constant 0.000000e+00 : f32
    %broadcast_in_dim3A_208 = vector.broadcast %broadcast_in_dim3A_207 : f32 to vector<1x128xf32>
    %concatenate3A_209 = tpu.concatenate %broadcast_in_dim3A_208, %slice3A_204, %broadcast_in_dim3A_206 in 0 : vector<1x128xf32>, vector<256x128xf32>, vector<7x128xf32> -> vector<264x128xf32>
    %slice3A_210 = vector.extract_strided_slice %slice3A_199 {offsets = [0, 256], sizes = [256, 128], strides = [1, 1]} : vector<256x512xf32> to vector<256x128xf32>
    %broadcast_in_dim3A_211 = arith.constant 0.000000e+00 : f32
    %broadcast_in_dim3A_212 = vector.broadcast %broadcast_in_dim3A_211 : f32 to vector<6x128xf32>
    %broadcast_in_dim3A_213 = arith.constant 0.000000e+00 : f32
    %broadcast_in_dim3A_214 = vector.broadcast %broadcast_in_dim3A_213 : f32 to vector<2x128xf32>
    %concatenate3A_215 = tpu.concatenate %broadcast_in_dim3A_214, %slice3A_210, %broadcast_in_dim3A_212 in 0 : vector<2x128xf32>, vector<256x128xf32>, vector<6x128xf32> -> vector<264x128xf32>
    %slice3A_216 = vector.extract_strided_slice %slice3A_199 {offsets = [0, 384], sizes = [256, 128], strides = [1, 1]} : vector<256x512xf32> to vector<256x128xf32>
    %broadcast_in_dim3A_217 = arith.constant 0.000000e+00 : f32
    %broadcast_in_dim3A_218 = vector.broadcast %broadcast_in_dim3A_217 : f32 to vector<5x128xf32>
    %broadcast_in_dim3A_219 = arith.constant 0.000000e+00 : f32
    %broadcast_in_dim3A_220 = vector.broadcast %broadcast_in_dim3A_219 : f32 to vector<3x128xf32>
    %concatenate3A_221 = tpu.concatenate %broadcast_in_dim3A_220, %slice3A_216, %broadcast_in_dim3A_218 in 0 : vector<3x128xf32>, vector<256x128xf32>, vector<5x128xf32> -> vector<264x128xf32>
    %add3A_222 = arith.addf %concatenate3A_203, %concatenate3A_209 : vector<264x128xf32>
    %add3A_223 = arith.addf %add3A_222, %concatenate3A_215 : vector<264x128xf32>
    %add3A_224 = arith.addf %add3A_223, %concatenate3A_221 : vector<264x128xf32>
    %swap3A_225 = arith.constant 3 : index
    %swap3A_226 = arith.constant 0 : index
    %swap3A_227 = arith.constant 0 : index
    %swap3A_228 = vector.load %arg4[%swap3A_225, %swap3A_226, %swap3A_227] : memref<8x264x128xf32, #tpu.memory_space<vmem>>, vector<1x264x128xf32>
    %swap3A_229 = vector.shape_cast %swap3A_228 : vector<1x264x128xf32> to vector<264x128xf32>
    %swap3A_230 = vector.shape_cast %add3A_224 : vector<264x128xf32> to vector<1x264x128xf32>
    tpu.vector_store %arg4[%swap3A_225, %swap3A_226, %swap3A_227], %swap3A_230 {strides = array<i32>} : memref<8x264x128xf32, #tpu.memory_space<vmem>>, vector<1x264x128xf32>,
    %slice3A_231 = vector.extract_strided_slice %add3A {offsets = [1024, 0], sizes = [256, 512], strides = [1, 1]} : vector<2048x512xf32> to vector<256x512xf32>
    %slice3A_232 = vector.extract_strided_slice %slice3A_231 {offsets = [0, 0], sizes = [256, 128], strides = [1, 1]} : vector<256x512xf32> to vector<256x128xf32>
    %broadcast_in_dim3A_233 = arith.constant 0.000000e+00 : f32
    %broadcast_in_dim3A_234 = vector.broadcast %broadcast_in_dim3A_233 : f32 to vector<8x128xf32>
    %concatenate3A_235 = tpu.concatenate %slice3A_232, %broadcast_in_dim3A_234 in 0 : vector<256x128xf32>, vector<8x128xf32> -> vector<264x128xf32>
    %slice3A_236 = vector.extract_strided_slice %slice3A_231 {offsets = [0, 128], sizes = [256, 128], strides = [1, 1]} : vector<256x512xf32> to vector<256x128xf32>
    %broadcast_in_dim3A_237 = arith.constant 0.000000e+00 : f32
    %broadcast_in_dim3A_238 = vector.broadcast %broadcast_in_dim3A_237 : f32 to vector<7x128xf32>
    %broadcast_in_dim3A_239 = arith.constant 0.000000e+00 : f32
    %broadcast_in_dim3A_240 = vector.broadcast %broadcast_in_dim3A_239 : f32 to vector<1x128xf32>
    %concatenate3A_241 = tpu.concatenate %broadcast_in_dim3A_240, %slice3A_236, %broadcast_in_dim3A_238 in 0 : vector<1x128xf32>, vector<256x128xf32>, vector<7x128xf32> -> vector<264x128xf32>
    %slice3A_242 = vector.extract_strided_slice %slice3A_231 {offsets = [0, 256], sizes = [256, 128], strides = [1, 1]} : vector<256x512xf32> to vector<256x128xf32>
    %broadcast_in_dim3A_243 = arith.constant 0.000000e+00 : f32
    %broadcast_in_dim3A_244 = vector.broadcast %broadcast_in_dim3A_243 : f32 to vector<6x128xf32>
    %broadcast_in_dim3A_245 = arith.constant 0.000000e+00 : f32
    %broadcast_in_dim3A_246 = vector.broadcast %broadcast_in_dim3A_245 : f32 to vector<2x128xf32>
    %concatenate3A_247 = tpu.concatenate %broadcast_in_dim3A_246, %slice3A_242, %broadcast_in_dim3A_244 in 0 : vector<2x128xf32>, vector<256x128xf32>, vector<6x128xf32> -> vector<264x128xf32>
    %slice3A_248 = vector.extract_strided_slice %slice3A_231 {offsets = [0, 384], sizes = [256, 128], strides = [1, 1]} : vector<256x512xf32> to vector<256x128xf32>
    %broadcast_in_dim3A_249 = arith.constant 0.000000e+00 : f32
    %broadcast_in_dim3A_250 = vector.broadcast %broadcast_in_dim3A_249 : f32 to vector<5x128xf32>
    %broadcast_in_dim3A_251 = arith.constant 0.000000e+00 : f32
    %broadcast_in_dim3A_252 = vector.broadcast %broadcast_in_dim3A_251 : f32 to vector<3x128xf32>
    %concatenate3A_253 = tpu.concatenate %broadcast_in_dim3A_252, %slice3A_248, %broadcast_in_dim3A_250 in 0 : vector<3x128xf32>, vector<256x128xf32>, vector<5x128xf32> -> vector<264x128xf32>
    %add3A_254 = arith.addf %concatenate3A_235, %concatenate3A_241 : vector<264x128xf32>
    %add3A_255 = arith.addf %add3A_254, %concatenate3A_247 : vector<264x128xf32>
    %add3A_256 = arith.addf %add3A_255, %concatenate3A_253 : vector<264x128xf32>
    %swap3A_257 = arith.constant 4 : index
    %swap3A_258 = arith.constant 0 : index
    %swap3A_259 = arith.constant 0 : index
    %swap3A_260 = vector.load %arg4[%swap3A_257, %swap3A_258, %swap3A_259] : memref<8x264x128xf32, #tpu.memory_space<vmem>>, vector<1x264x128xf32>
    %swap3A_261 = vector.shape_cast %swap3A_260 : vector<1x264x128xf32> to vector<264x128xf32>
    %swap3A_262 = vector.shape_cast %add3A_256 : vector<264x128xf32> to vector<1x264x128xf32>
    tpu.vector_store %arg4[%swap3A_257, %swap3A_258, %swap3A_259], %swap3A_262 {strides = array<i32>} : memref<8x264x128xf32, #tpu.memory_space<vmem>>, vector<1x264x128xf32>,
    %slice3A_263 = vector.extract_strided_slice %add3A {offsets = [1280, 0], sizes = [256, 512], strides = [1, 1]} : vector<2048x512xf32> to vector<256x512xf32>
    %slice3A_264 = vector.extract_strided_slice %slice3A_263 {offsets = [0, 0], sizes = [256, 128], strides = [1, 1]} : vector<256x512xf32> to vector<256x128xf32>
    %broadcast_in_dim3A_265 = arith.constant 0.000000e+00 : f32
    %broadcast_in_dim3A_266 = vector.broadcast %broadcast_in_dim3A_265 : f32 to vector<8x128xf32>
    %concatenate3A_267 = tpu.concatenate %slice3A_264, %broadcast_in_dim3A_266 in 0 : vector<256x128xf32>, vector<8x128xf32> -> vector<264x128xf32>
    %slice3A_268 = vector.extract_strided_slice %slice3A_263 {offsets = [0, 128], sizes = [256, 128], strides = [1, 1]} : vector<256x512xf32> to vector<256x128xf32>
    %broadcast_in_dim3A_269 = arith.constant 0.000000e+00 : f32
    %broadcast_in_dim3A_270 = vector.broadcast %broadcast_in_dim3A_269 : f32 to vector<7x128xf32>
    %broadcast_in_dim3A_271 = arith.constant 0.000000e+00 : f32
    %broadcast_in_dim3A_272 = vector.broadcast %broadcast_in_dim3A_271 : f32 to vector<1x128xf32>
    %concatenate3A_273 = tpu.concatenate %broadcast_in_dim3A_272, %slice3A_268, %broadcast_in_dim3A_270 in 0 : vector<1x128xf32>, vector<256x128xf32>, vector<7x128xf32> -> vector<264x128xf32>
    %slice3A_274 = vector.extract_strided_slice %slice3A_263 {offsets = [0, 256], sizes = [256, 128], strides = [1, 1]} : vector<256x512xf32> to vector<256x128xf32>
    %broadcast_in_dim3A_275 = arith.constant 0.000000e+00 : f32
    %broadcast_in_dim3A_276 = vector.broadcast %broadcast_in_dim3A_275 : f32 to vector<6x128xf32>
    %broadcast_in_dim3A_277 = arith.constant 0.000000e+00 : f32
    %broadcast_in_dim3A_278 = vector.broadcast %broadcast_in_dim3A_277 : f32 to vector<2x128xf32>
    %concatenate3A_279 = tpu.concatenate %broadcast_in_dim3A_278, %slice3A_274, %broadcast_in_dim3A_276 in 0 : vector<2x128xf32>, vector<256x128xf32>, vector<6x128xf32> -> vector<264x128xf32>
    %slice3A_280 = vector.extract_strided_slice %slice3A_263 {offsets = [0, 384], sizes = [256, 128], strides = [1, 1]} : vector<256x512xf32> to vector<256x128xf32>
    %broadcast_in_dim3A_281 = arith.constant 0.000000e+00 : f32
    %broadcast_in_dim3A_282 = vector.broadcast %broadcast_in_dim3A_281 : f32 to vector<5x128xf32>
    %broadcast_in_dim3A_283 = arith.constant 0.000000e+00 : f32
    %broadcast_in_dim3A_284 = vector.broadcast %broadcast_in_dim3A_283 : f32 to vector<3x128xf32>
    %concatenate3A_285 = tpu.concatenate %broadcast_in_dim3A_284, %slice3A_280, %broadcast_in_dim3A_282 in 0 : vector<3x128xf32>, vector<256x128xf32>, vector<5x128xf32> -> vector<264x128xf32>
    %add3A_286 = arith.addf %concatenate3A_267, %concatenate3A_273 : vector<264x128xf32>
    %add3A_287 = arith.addf %add3A_286, %concatenate3A_279 : vector<264x128xf32>
    %add3A_288 = arith.addf %add3A_287, %concatenate3A_285 : vector<264x128xf32>
    %swap3A_289 = arith.constant 5 : index
    %swap3A_290 = arith.constant 0 : index
    %swap3A_291 = arith.constant 0 : index
    %swap3A_292 = vector.load %arg4[%swap3A_289, %swap3A_290, %swap3A_291] : memref<8x264x128xf32, #tpu.memory_space<vmem>>, vector<1x264x128xf32>
    %swap3A_293 = vector.shape_cast %swap3A_292 : vector<1x264x128xf32> to vector<264x128xf32>
    %swap3A_294 = vector.shape_cast %add3A_288 : vector<264x128xf32> to vector<1x264x128xf32>
    tpu.vector_store %arg4[%swap3A_289, %swap3A_290, %swap3A_291], %swap3A_294 {strides = array<i32>} : memref<8x264x128xf32, #tpu.memory_space<vmem>>, vector<1x264x128xf32>,
    %slice3A_295 = vector.extract_strided_slice %add3A {offsets = [1536, 0], sizes = [256, 512], strides = [1, 1]} : vector<2048x512xf32> to vector<256x512xf32>
    %slice3A_296 = vector.extract_strided_slice %slice3A_295 {offsets = [0, 0], sizes = [256, 128], strides = [1, 1]} : vector<256x512xf32> to vector<256x128xf32>
    %broadcast_in_dim3A_297 = arith.constant 0.000000e+00 : f32
    %broadcast_in_dim3A_298 = vector.broadcast %broadcast_in_dim3A_297 : f32 to vector<8x128xf32>
    %concatenate3A_299 = tpu.concatenate %slice3A_296, %broadcast_in_dim3A_298 in 0 : vector<256x128xf32>, vector<8x128xf32> -> vector<264x128xf32>
    %slice3A_300 = vector.extract_strided_slice %slice3A_295 {offsets = [0, 128], sizes = [256, 128], strides = [1, 1]} : vector<256x512xf32> to vector<256x128xf32>
    %broadcast_in_dim3A_301 = arith.constant 0.000000e+00 : f32
    %broadcast_in_dim3A_302 = vector.broadcast %broadcast_in_dim3A_301 : f32 to vector<7x128xf32>
    %broadcast_in_dim3A_303 = arith.constant 0.000000e+00 : f32
    %broadcast_in_dim3A_304 = vector.broadcast %broadcast_in_dim3A_303 : f32 to vector<1x128xf32>
    %concatenate3A_305 = tpu.concatenate %broadcast_in_dim3A_304, %slice3A_300, %broadcast_in_dim3A_302 in 0 : vector<1x128xf32>, vector<256x128xf32>, vector<7x128xf32> -> vector<264x128xf32>
    %slice3A_306 = vector.extract_strided_slice %slice3A_295 {offsets = [0, 256], sizes = [256, 128], strides = [1, 1]} : vector<256x512xf32> to vector<256x128xf32>
    %broadcast_in_dim3A_307 = arith.constant 0.000000e+00 : f32
    %broadcast_in_dim3A_308 = vector.broadcast %broadcast_in_dim3A_307 : f32 to vector<6x128xf32>
    %broadcast_in_dim3A_309 = arith.constant 0.000000e+00 : f32
    %broadcast_in_dim3A_310 = vector.broadcast %broadcast_in_dim3A_309 : f32 to vector<2x128xf32>
    %concatenate3A_311 = tpu.concatenate %broadcast_in_dim3A_310, %slice3A_306, %broadcast_in_dim3A_308 in 0 : vector<2x128xf32>, vector<256x128xf32>, vector<6x128xf32> -> vector<264x128xf32>
    %slice3A_312 = vector.extract_strided_slice %slice3A_295 {offsets = [0, 384], sizes = [256, 128], strides = [1, 1]} : vector<256x512xf32> to vector<256x128xf32>
    %broadcast_in_dim3A_313 = arith.constant 0.000000e+00 : f32
    %broadcast_in_dim3A_314 = vector.broadcast %broadcast_in_dim3A_313 : f32 to vector<5x128xf32>
    %broadcast_in_dim3A_315 = arith.constant 0.000000e+00 : f32
    %broadcast_in_dim3A_316 = vector.broadcast %broadcast_in_dim3A_315 : f32 to vector<3x128xf32>
    %concatenate3A_317 = tpu.concatenate %broadcast_in_dim3A_316, %slice3A_312, %broadcast_in_dim3A_314 in 0 : vector<3x128xf32>, vector<256x128xf32>, vector<5x128xf32> -> vector<264x128xf32>
    %add3A_318 = arith.addf %concatenate3A_299, %concatenate3A_305 : vector<264x128xf32>
    %add3A_319 = arith.addf %add3A_318, %concatenate3A_311 : vector<264x128xf32>
    %add3A_320 = arith.addf %add3A_319, %concatenate3A_317 : vector<264x128xf32>
    %swap3A_321 = arith.constant 6 : index
    %swap3A_322 = arith.constant 0 : index
    %swap3A_323 = arith.constant 0 : index
    %swap3A_324 = vector.load %arg4[%swap3A_321, %swap3A_322, %swap3A_323] : memref<8x264x128xf32, #tpu.memory_space<vmem>>, vector<1x264x128xf32>
    %swap3A_325 = vector.shape_cast %swap3A_324 : vector<1x264x128xf32> to vector<264x128xf32>
    %swap3A_326 = vector.shape_cast %add3A_320 : vector<264x128xf32> to vector<1x264x128xf32>
    tpu.vector_store %arg4[%swap3A_321, %swap3A_322, %swap3A_323], %swap3A_326 {strides = array<i32>} : memref<8x264x128xf32, #tpu.memory_space<vmem>>, vector<1x264x128xf32>,
    %slice3A_327 = vector.extract_strided_slice %add3A {offsets = [1792, 0], sizes = [256, 512], strides = [1, 1]} : vector<2048x512xf32> to vector<256x512xf32>
    %slice3A_328 = vector.extract_strided_slice %slice3A_327 {offsets = [0, 0], sizes = [256, 128], strides = [1, 1]} : vector<256x512xf32> to vector<256x128xf32>
    %broadcast_in_dim3A_329 = arith.constant 0.000000e+00 : f32
    %broadcast_in_dim3A_330 = vector.broadcast %broadcast_in_dim3A_329 : f32 to vector<8x128xf32>
    %concatenate3A_331 = tpu.concatenate %slice3A_328, %broadcast_in_dim3A_330 in 0 : vector<256x128xf32>, vector<8x128xf32> -> vector<264x128xf32>
    %slice3A_332 = vector.extract_strided_slice %slice3A_327 {offsets = [0, 128], sizes = [256, 128], strides = [1, 1]} : vector<256x512xf32> to vector<256x128xf32>
    %broadcast_in_dim3A_333 = arith.constant 0.000000e+00 : f32
    %broadcast_in_dim3A_334 = vector.broadcast %broadcast_in_dim3A_333 : f32 to vector<7x128xf32>
    %broadcast_in_dim3A_335 = arith.constant 0.000000e+00 : f32
    %broadcast_in_dim3A_336 = vector.broadcast %broadcast_in_dim3A_335 : f32 to vector<1x128xf32>
    %concatenate3A_337 = tpu.concatenate %broadcast_in_dim3A_336, %slice3A_332, %broadcast_in_dim3A_334 in 0 : vector<1x128xf32>, vector<256x128xf32>, vector<7x128xf32> -> vector<264x128xf32>
    %slice3A_338 = vector.extract_strided_slice %slice3A_327 {offsets = [0, 256], sizes = [256, 128], strides = [1, 1]} : vector<256x512xf32> to vector<256x128xf32>
    %broadcast_in_dim3A_339 = arith.constant 0.000000e+00 : f32
    %broadcast_in_dim3A_340 = vector.broadcast %broadcast_in_dim3A_339 : f32 to vector<6x128xf32>
    %broadcast_in_dim3A_341 = arith.constant 0.000000e+00 : f32
    %broadcast_in_dim3A_342 = vector.broadcast %broadcast_in_dim3A_341 : f32 to vector<2x128xf32>
    %concatenate3A_343 = tpu.concatenate %broadcast_in_dim3A_342, %slice3A_338, %broadcast_in_dim3A_340 in 0 : vector<2x128xf32>, vector<256x128xf32>, vector<6x128xf32> -> vector<264x128xf32>
    %slice3A_344 = vector.extract_strided_slice %slice3A_327 {offsets = [0, 384], sizes = [256, 128], strides = [1, 1]} : vector<256x512xf32> to vector<256x128xf32>
    %broadcast_in_dim3A_345 = arith.constant 0.000000e+00 : f32
    %broadcast_in_dim3A_346 = vector.broadcast %broadcast_in_dim3A_345 : f32 to vector<5x128xf32>
    %broadcast_in_dim3A_347 = arith.constant 0.000000e+00 : f32
    %broadcast_in_dim3A_348 = vector.broadcast %broadcast_in_dim3A_347 : f32 to vector<3x128xf32>
    %concatenate3A_349 = tpu.concatenate %broadcast_in_dim3A_348, %slice3A_344, %broadcast_in_dim3A_346 in 0 : vector<3x128xf32>, vector<256x128xf32>, vector<5x128xf32> -> vector<264x128xf32>
    %add3A_350 = arith.addf %concatenate3A_331, %concatenate3A_337 : vector<264x128xf32>
    %add3A_351 = arith.addf %add3A_350, %concatenate3A_343 : vector<264x128xf32>
    %add3A_352 = arith.addf %add3A_351, %concatenate3A_349 : vector<264x128xf32>
    %swap3A_353 = arith.constant 7 : index
    %swap3A_354 = arith.constant 0 : index
    %swap3A_355 = arith.constant 0 : index
    %swap3A_356 = vector.load %arg4[%swap3A_353, %swap3A_354, %swap3A_355] : memref<8x264x128xf32, #tpu.memory_space<vmem>>, vector<1x264x128xf32>
    %swap3A_357 = vector.shape_cast %swap3A_356 : vector<1x264x128xf32> to vector<264x128xf32>
    %swap3A_358 = vector.shape_cast %add3A_352 : vector<264x128xf32> to vector<1x264x128xf32>
    tpu.vector_store %arg4[%swap3A_353, %swap3A_354, %swap3A_355], %swap3A_358 {strides = array<i32>} : memref<8x264x128xf32, #tpu.memory_space<vmem>>, vector<1x264x128xf32>,
    return
  }
  func.func @transform_0(%arg0: i32) -> (i32, i32, i32, i32) {
    %c0_i32 = arith.constant 0 : i32
    %c0_i32_0 = arith.constant 0 : i32
    %c0_i32_1 = arith.constant 0 : i32
    %c0_i32_2 = arith.constant 0 : i32
    return %arg0, %c0_i32, %c0_i32_0, %c0_i32_1 : i32, i32, i32, i32
  }
  func.func @transform_1(%arg0: i32) -> (i32, i32) {
    %c0_i32 = arith.constant 0 : i32
    %c0_i32_0 = arith.constant 0 : i32
    %c0_i32_1 = arith.constant 0 : i32
    return %c0_i32, %c0_i32_0 : i32, i32
  }
  func.func @transform_2(%arg0: i32) -> (i32, i32) {
    %c0_i32 = arith.constant 0 : i32
    %c0_i32_0 = arith.constant 0 : i32
    %c0_i32_1 = arith.constant 0 : i32
    return %c0_i32, %c0_i32_0 : i32, i32
  }
  func.func @transform_3(%arg0: i32) -> (i32, i32, i32) {
    %c0_i32 = arith.constant 0 : i32
    %c0_i32_0 = arith.constant 0 : i32
    %c0_i32_1 = arith.constant 0 : i32
    return %arg0, %c0_i32, %c0_i32_0 : i32, i32, i32
  }
}

module attributes {stable_mosaic.version = 14 : i64} {
  func.func @_tc2_body(%arg0: i32, %arg1: memref<8x264x128xf32, #tpu.memory_space<vmem>>, %arg2: memref<512x514xbf16, #tpu.memory_space<vmem>>, %arg3: memref<264x128xf32, #tpu.memory_space<vmem>>, %arg4: memref<8x257x2x256xf32, #tpu.memory_space<vmem>>) attributes {dimension_semantics = [#tpu.dimension_semantics<arbitrary>], iteration_bounds = array<i64: 4>, scalar_prefetch = 0 : i64, scratch_operands = 0 : i64, tpu.core_type = #tpu.core_type<tc>, window_params = [{transform_indices = @transform_0, window_bounds = array<i64: 8, 264, 128>}, {pipeline_mode = #tpu.pipeline_mode<synchronous>, transform_indices = @transform_1, window_bounds = array<i64: 512, 514>}, {pipeline_mode = #tpu.pipeline_mode<synchronous>, transform_indices = @transform_2, window_bounds = array<i64: 264, 128>}, {transform_indices = @transform_3, window_bounds = array<i64: 8, 257, 2, 256>}]} {
    %get3A = arith.constant 0 : index
    %get3A_0 = arith.constant 0 : index
    %get3A_1 = arith.constant 0 : index
    %get3A_2 = vector.load %arg1[%get3A, %get3A_0, %get3A_1] : memref<8x264x128xf32, #tpu.memory_space<vmem>>, vector<1x264x128xf32>
    %get3A_3 = vector.shape_cast %get3A_2 : vector<1x264x128xf32> to vector<264x128xf32>
    %get3A_4 = arith.constant 0 : index
    %get3A_5 = arith.constant 0 : index
    %get3A_6 = vector.load %arg3[%get3A_4, %get3A_5] : memref<264x128xf32, #tpu.memory_space<vmem>>, vector<264x128xf32>
    %mul3A = arith.mulf %get3A_3, %get3A_6 : vector<264x128xf32>
    %slice3A = vector.extract_strided_slice %mul3A {offsets = [0, 0], sizes = [256, 128], strides = [1, 1]} : vector<264x128xf32> to vector<256x128xf32>
    %slice3A_7 = vector.extract_strided_slice %mul3A {offsets = [1, 0], sizes = [256, 128], strides = [1, 1]} : vector<264x128xf32> to vector<256x128xf32>
    %slice3A_8 = vector.extract_strided_slice %mul3A {offsets = [2, 0], sizes = [256, 128], strides = [1, 1]} : vector<264x128xf32> to vector<256x128xf32>
    %slice3A_9 = vector.extract_strided_slice %mul3A {offsets = [3, 0], sizes = [256, 128], strides = [1, 1]} : vector<264x128xf32> to vector<256x128xf32>
    %concatenate3A = tpu.concatenate %slice3A, %slice3A_7, %slice3A_8, %slice3A_9 in 1 : vector<256x128xf32>, vector<256x128xf32>, vector<256x128xf32>, vector<256x128xf32> -> vector<256x512xf32>
    %get3A_10 = arith.constant 1 : index
    %get3A_11 = arith.constant 0 : index
    %get3A_12 = arith.constant 0 : index
    %get3A_13 = vector.load %arg1[%get3A_10, %get3A_11, %get3A_12] : memref<8x264x128xf32, #tpu.memory_space<vmem>>, vector<1x264x128xf32>
    %get3A_14 = vector.shape_cast %get3A_13 : vector<1x264x128xf32> to vector<264x128xf32>
    %get3A_15 = arith.constant 0 : index
    %get3A_16 = arith.constant 0 : index
    %get3A_17 = vector.load %arg3[%get3A_15, %get3A_16] : memref<264x128xf32, #tpu.memory_space<vmem>>, vector<264x128xf32>
    %mul3A_18 = arith.mulf %get3A_14, %get3A_17 : vector<264x128xf32>
    %slice3A_19 = vector.extract_strided_slice %mul3A_18 {offsets = [0, 0], sizes = [256, 128], strides = [1, 1]} : vector<264x128xf32> to vector<256x128xf32>
    %slice3A_20 = vector.extract_strided_slice %mul3A_18 {offsets = [1, 0], sizes = [256, 128], strides = [1, 1]} : vector<264x128xf32> to vector<256x128xf32>
    %slice3A_21 = vector.extract_strided_slice %mul3A_18 {offsets = [2, 0], sizes = [256, 128], strides = [1, 1]} : vector<264x128xf32> to vector<256x128xf32>
    %slice3A_22 = vector.extract_strided_slice %mul3A_18 {offsets = [3, 0], sizes = [256, 128], strides = [1, 1]} : vector<264x128xf32> to vector<256x128xf32>
    %concatenate3A_23 = tpu.concatenate %slice3A_19, %slice3A_20, %slice3A_21, %slice3A_22 in 1 : vector<256x128xf32>, vector<256x128xf32>, vector<256x128xf32>, vector<256x128xf32> -> vector<256x512xf32>
    %get3A_24 = arith.constant 2 : index
    %get3A_25 = arith.constant 0 : index
    %get3A_26 = arith.constant 0 : index
    %get3A_27 = vector.load %arg1[%get3A_24, %get3A_25, %get3A_26] : memref<8x264x128xf32, #tpu.memory_space<vmem>>, vector<1x264x128xf32>
    %get3A_28 = vector.shape_cast %get3A_27 : vector<1x264x128xf32> to vector<264x128xf32>
    %get3A_29 = arith.constant 0 : index
    %get3A_30 = arith.constant 0 : index
    %get3A_31 = vector.load %arg3[%get3A_29, %get3A_30] : memref<264x128xf32, #tpu.memory_space<vmem>>, vector<264x128xf32>
    %mul3A_32 = arith.mulf %get3A_28, %get3A_31 : vector<264x128xf32>
    %slice3A_33 = vector.extract_strided_slice %mul3A_32 {offsets = [0, 0], sizes = [256, 128], strides = [1, 1]} : vector<264x128xf32> to vector<256x128xf32>
    %slice3A_34 = vector.extract_strided_slice %mul3A_32 {offsets = [1, 0], sizes = [256, 128], strides = [1, 1]} : vector<264x128xf32> to vector<256x128xf32>
    %slice3A_35 = vector.extract_strided_slice %mul3A_32 {offsets = [2, 0], sizes = [256, 128], strides = [1, 1]} : vector<264x128xf32> to vector<256x128xf32>
    %slice3A_36 = vector.extract_strided_slice %mul3A_32 {offsets = [3, 0], sizes = [256, 128], strides = [1, 1]} : vector<264x128xf32> to vector<256x128xf32>
    %concatenate3A_37 = tpu.concatenate %slice3A_33, %slice3A_34, %slice3A_35, %slice3A_36 in 1 : vector<256x128xf32>, vector<256x128xf32>, vector<256x128xf32>, vector<256x128xf32> -> vector<256x512xf32>
    %get3A_38 = arith.constant 3 : index
    %get3A_39 = arith.constant 0 : index
    %get3A_40 = arith.constant 0 : index
    %get3A_41 = vector.load %arg1[%get3A_38, %get3A_39, %get3A_40] : memref<8x264x128xf32, #tpu.memory_space<vmem>>, vector<1x264x128xf32>
    %get3A_42 = vector.shape_cast %get3A_41 : vector<1x264x128xf32> to vector<264x128xf32>
    %get3A_43 = arith.constant 0 : index
    %get3A_44 = arith.constant 0 : index
    %get3A_45 = vector.load %arg3[%get3A_43, %get3A_44] : memref<264x128xf32, #tpu.memory_space<vmem>>, vector<264x128xf32>
    %mul3A_46 = arith.mulf %get3A_42, %get3A_45 : vector<264x128xf32>
    %slice3A_47 = vector.extract_strided_slice %mul3A_46 {offsets = [0, 0], sizes = [256, 128], strides = [1, 1]} : vector<264x128xf32> to vector<256x128xf32>
    %slice3A_48 = vector.extract_strided_slice %mul3A_46 {offsets = [1, 0], sizes = [256, 128], strides = [1, 1]} : vector<264x128xf32> to vector<256x128xf32>
    %slice3A_49 = vector.extract_strided_slice %mul3A_46 {offsets = [2, 0], sizes = [256, 128], strides = [1, 1]} : vector<264x128xf32> to vector<256x128xf32>
    %slice3A_50 = vector.extract_strided_slice %mul3A_46 {offsets = [3, 0], sizes = [256, 128], strides = [1, 1]} : vector<264x128xf32> to vector<256x128xf32>
    %concatenate3A_51 = tpu.concatenate %slice3A_47, %slice3A_48, %slice3A_49, %slice3A_50 in 1 : vector<256x128xf32>, vector<256x128xf32>, vector<256x128xf32>, vector<256x128xf32> -> vector<256x512xf32>
    %get3A_52 = arith.constant 4 : index
    %get3A_53 = arith.constant 0 : index
    %get3A_54 = arith.constant 0 : index
    %get3A_55 = vector.load %arg1[%get3A_52, %get3A_53, %get3A_54] : memref<8x264x128xf32, #tpu.memory_space<vmem>>, vector<1x264x128xf32>
    %get3A_56 = vector.shape_cast %get3A_55 : vector<1x264x128xf32> to vector<264x128xf32>
    %get3A_57 = arith.constant 0 : index
    %get3A_58 = arith.constant 0 : index
    %get3A_59 = vector.load %arg3[%get3A_57, %get3A_58] : memref<264x128xf32, #tpu.memory_space<vmem>>, vector<264x128xf32>
    %mul3A_60 = arith.mulf %get3A_56, %get3A_59 : vector<264x128xf32>
    %slice3A_61 = vector.extract_strided_slice %mul3A_60 {offsets = [0, 0], sizes = [256, 128], strides = [1, 1]} : vector<264x128xf32> to vector<256x128xf32>
    %slice3A_62 = vector.extract_strided_slice %mul3A_60 {offsets = [1, 0], sizes = [256, 128], strides = [1, 1]} : vector<264x128xf32> to vector<256x128xf32>
    %slice3A_63 = vector.extract_strided_slice %mul3A_60 {offsets = [2, 0], sizes = [256, 128], strides = [1, 1]} : vector<264x128xf32> to vector<256x128xf32>
    %slice3A_64 = vector.extract_strided_slice %mul3A_60 {offsets = [3, 0], sizes = [256, 128], strides = [1, 1]} : vector<264x128xf32> to vector<256x128xf32>
    %concatenate3A_65 = tpu.concatenate %slice3A_61, %slice3A_62, %slice3A_63, %slice3A_64 in 1 : vector<256x128xf32>, vector<256x128xf32>, vector<256x128xf32>, vector<256x128xf32> -> vector<256x512xf32>
    %get3A_66 = arith.constant 5 : index
    %get3A_67 = arith.constant 0 : index
    %get3A_68 = arith.constant 0 : index
    %get3A_69 = vector.load %arg1[%get3A_66, %get3A_67, %get3A_68] : memref<8x264x128xf32, #tpu.memory_space<vmem>>, vector<1x264x128xf32>
    %get3A_70 = vector.shape_cast %get3A_69 : vector<1x264x128xf32> to vector<264x128xf32>
    %get3A_71 = arith.constant 0 : index
    %get3A_72 = arith.constant 0 : index
    %get3A_73 = vector.load %arg3[%get3A_71, %get3A_72] : memref<264x128xf32, #tpu.memory_space<vmem>>, vector<264x128xf32>
    %mul3A_74 = arith.mulf %get3A_70, %get3A_73 : vector<264x128xf32>
    %slice3A_75 = vector.extract_strided_slice %mul3A_74 {offsets = [0, 0], sizes = [256, 128], strides = [1, 1]} : vector<264x128xf32> to vector<256x128xf32>
    %slice3A_76 = vector.extract_strided_slice %mul3A_74 {offsets = [1, 0], sizes = [256, 128], strides = [1, 1]} : vector<264x128xf32> to vector<256x128xf32>
    %slice3A_77 = vector.extract_strided_slice %mul3A_74 {offsets = [2, 0], sizes = [256, 128], strides = [1, 1]} : vector<264x128xf32> to vector<256x128xf32>
    %slice3A_78 = vector.extract_strided_slice %mul3A_74 {offsets = [3, 0], sizes = [256, 128], strides = [1, 1]} : vector<264x128xf32> to vector<256x128xf32>
    %concatenate3A_79 = tpu.concatenate %slice3A_75, %slice3A_76, %slice3A_77, %slice3A_78 in 1 : vector<256x128xf32>, vector<256x128xf32>, vector<256x128xf32>, vector<256x128xf32> -> vector<256x512xf32>
    %get3A_80 = arith.constant 6 : index
    %get3A_81 = arith.constant 0 : index
    %get3A_82 = arith.constant 0 : index
    %get3A_83 = vector.load %arg1[%get3A_80, %get3A_81, %get3A_82] : memref<8x264x128xf32, #tpu.memory_space<vmem>>, vector<1x264x128xf32>
    %get3A_84 = vector.shape_cast %get3A_83 : vector<1x264x128xf32> to vector<264x128xf32>
    %get3A_85 = arith.constant 0 : index
    %get3A_86 = arith.constant 0 : index
    %get3A_87 = vector.load %arg3[%get3A_85, %get3A_86] : memref<264x128xf32, #tpu.memory_space<vmem>>, vector<264x128xf32>
    %mul3A_88 = arith.mulf %get3A_84, %get3A_87 : vector<264x128xf32>
    %slice3A_89 = vector.extract_strided_slice %mul3A_88 {offsets = [0, 0], sizes = [256, 128], strides = [1, 1]} : vector<264x128xf32> to vector<256x128xf32>
    %slice3A_90 = vector.extract_strided_slice %mul3A_88 {offsets = [1, 0], sizes = [256, 128], strides = [1, 1]} : vector<264x128xf32> to vector<256x128xf32>
    %slice3A_91 = vector.extract_strided_slice %mul3A_88 {offsets = [2, 0], sizes = [256, 128], strides = [1, 1]} : vector<264x128xf32> to vector<256x128xf32>
    %slice3A_92 = vector.extract_strided_slice %mul3A_88 {offsets = [3, 0], sizes = [256, 128], strides = [1, 1]} : vector<264x128xf32> to vector<256x128xf32>
    %concatenate3A_93 = tpu.concatenate %slice3A_89, %slice3A_90, %slice3A_91, %slice3A_92 in 1 : vector<256x128xf32>, vector<256x128xf32>, vector<256x128xf32>, vector<256x128xf32> -> vector<256x512xf32>
    %get3A_94 = arith.constant 7 : index
    %get3A_95 = arith.constant 0 : index
    %get3A_96 = arith.constant 0 : index
    %get3A_97 = vector.load %arg1[%get3A_94, %get3A_95, %get3A_96] : memref<8x264x128xf32, #tpu.memory_space<vmem>>, vector<1x264x128xf32>
    %get3A_98 = vector.shape_cast %get3A_97 : vector<1x264x128xf32> to vector<264x128xf32>
    %get3A_99 = arith.constant 0 : index
    %get3A_100 = arith.constant 0 : index
    %get3A_101 = vector.load %arg3[%get3A_99, %get3A_100] : memref<264x128xf32, #tpu.memory_space<vmem>>, vector<264x128xf32>
    %mul3A_102 = arith.mulf %get3A_98, %get3A_101 : vector<264x128xf32>
    %slice3A_103 = vector.extract_strided_slice %mul3A_102 {offsets = [0, 0], sizes = [256, 128], strides = [1, 1]} : vector<264x128xf32> to vector<256x128xf32>
    %slice3A_104 = vector.extract_strided_slice %mul3A_102 {offsets = [1, 0], sizes = [256, 128], strides = [1, 1]} : vector<264x128xf32> to vector<256x128xf32>
    %slice3A_105 = vector.extract_strided_slice %mul3A_102 {offsets = [2, 0], sizes = [256, 128], strides = [1, 1]} : vector<264x128xf32> to vector<256x128xf32>
    %slice3A_106 = vector.extract_strided_slice %mul3A_102 {offsets = [3, 0], sizes = [256, 128], strides = [1, 1]} : vector<264x128xf32> to vector<256x128xf32>
    %concatenate3A_107 = tpu.concatenate %slice3A_103, %slice3A_104, %slice3A_105, %slice3A_106 in 1 : vector<256x128xf32>, vector<256x128xf32>, vector<256x128xf32>, vector<256x128xf32> -> vector<256x512xf32>
    %concatenate3A_108 = tpu.concatenate %concatenate3A, %concatenate3A_23, %concatenate3A_37, %concatenate3A_51, %concatenate3A_65, %concatenate3A_79, %concatenate3A_93, %concatenate3A_107 in 0 : vector<256x512xf32>, vector<256x512xf32>, vector<256x512xf32>, vector<256x512xf32>, vector<256x512xf32>, vector<256x512xf32>, vector<256x512xf32>, vector<256x512xf32> -> vector<2048x512xf32>
    %convert_element_type3A = arith.truncf %concatenate3A_108 : vector<2048x512xf32> to vector<2048x512xbf16>
    %get3A_109 = arith.constant 0 : index
    %get3A_110 = arith.constant 0 : index
    %get3A_111 = vector.load %arg2[%get3A_109, %get3A_110] : memref<512x514xbf16, #tpu.memory_space<vmem>>, vector<512x257xbf16>
    %dot_general3A = arith.constant dense<0.000000e+00> : vector<257x2048xf32>
    %dot_general3A_112 = tpu.matmul %get3A_111, %convert_element_type3A, %dot_general3A {dimension_numbers = #tpu.dot_dimension_numbers<[0], [1], [1], [0], [0, 1, 1, 0], [], []>, transpose_lhs_hint = false} : vector<512x257xbf16>, vector<2048x512xbf16>, vector<257x2048xf32> -> vector<257x2048xf32>
    %get3A_113 = arith.constant 0 : index
    %get3A_114 = arith.constant 257 : index
    %get3A_115 = vector.load %arg2[%get3A_113, %get3A_114] : memref<512x514xbf16, #tpu.memory_space<vmem>>, vector<512x257xbf16>
    %dot_general3A_116 = arith.constant dense<0.000000e+00> : vector<257x2048xf32>
    %dot_general3A_117 = tpu.matmul %get3A_115, %convert_element_type3A, %dot_general3A_116 {dimension_numbers = #tpu.dot_dimension_numbers<[0], [1], [1], [0], [0, 1, 1, 0], [], []>, transpose_lhs_hint = false} : vector<512x257xbf16>, vector<2048x512xbf16>, vector<257x2048xf32> -> vector<257x2048xf32>
    %slice3A_118 = vector.extract_strided_slice %dot_general3A_112 {offsets = [0, 0], sizes = [257, 256], strides = [1, 1]} : vector<257x2048xf32> to vector<257x256xf32>
    %swap3A = arith.constant 0 : index
    %swap3A_119 = arith.constant 0 : index
    %swap3A_120 = arith.constant 0 : index
    %swap3A_121 = arith.constant 0 : index
    %swap3A_122 = vector.load %arg4[%swap3A, %swap3A_119, %swap3A_120, %swap3A_121] : memref<8x257x2x256xf32, #tpu.memory_space<vmem>>, vector<1x257x1x256xf32>
    %swap3A_123 = vector.shape_cast %swap3A_122 : vector<1x257x1x256xf32> to vector<257x256xf32>
    %swap3A_124 = vector.shape_cast %slice3A_118 : vector<257x256xf32> to vector<1x257x1x256xf32>
    tpu.vector_store %arg4[%swap3A, %swap3A_119, %swap3A_120, %swap3A_121], %swap3A_124 {strides = array<i32>} : memref<8x257x2x256xf32, #tpu.memory_space<vmem>>, vector<1x257x1x256xf32>,
    %slice3A_125 = vector.extract_strided_slice %dot_general3A_117 {offsets = [0, 0], sizes = [257, 256], strides = [1, 1]} : vector<257x2048xf32> to vector<257x256xf32>
    %swap3A_126 = arith.constant 0 : index
    %swap3A_127 = arith.constant 0 : index
    %swap3A_128 = arith.constant 1 : index
    %swap3A_129 = arith.constant 0 : index
    %swap3A_130 = vector.load %arg4[%swap3A_126, %swap3A_127, %swap3A_128, %swap3A_129] : memref<8x257x2x256xf32, #tpu.memory_space<vmem>>, vector<1x257x1x256xf32>
    %swap3A_131 = vector.shape_cast %swap3A_130 : vector<1x257x1x256xf32> to vector<257x256xf32>
    %swap3A_132 = vector.shape_cast %slice3A_125 : vector<257x256xf32> to vector<1x257x1x256xf32>
    tpu.vector_store %arg4[%swap3A_126, %swap3A_127, %swap3A_128, %swap3A_129], %swap3A_132 {strides = array<i32>} : memref<8x257x2x256xf32, #tpu.memory_space<vmem>>, vector<1x257x1x256xf32>,
    %slice3A_133 = vector.extract_strided_slice %dot_general3A_112 {offsets = [0, 256], sizes = [257, 256], strides = [1, 1]} : vector<257x2048xf32> to vector<257x256xf32>
    %swap3A_134 = arith.constant 1 : index
    %swap3A_135 = arith.constant 0 : index
    %swap3A_136 = arith.constant 0 : index
    %swap3A_137 = arith.constant 0 : index
    %swap3A_138 = vector.load %arg4[%swap3A_134, %swap3A_135, %swap3A_136, %swap3A_137] : memref<8x257x2x256xf32, #tpu.memory_space<vmem>>, vector<1x257x1x256xf32>
    %swap3A_139 = vector.shape_cast %swap3A_138 : vector<1x257x1x256xf32> to vector<257x256xf32>
    %swap3A_140 = vector.shape_cast %slice3A_133 : vector<257x256xf32> to vector<1x257x1x256xf32>
    tpu.vector_store %arg4[%swap3A_134, %swap3A_135, %swap3A_136, %swap3A_137], %swap3A_140 {strides = array<i32>} : memref<8x257x2x256xf32, #tpu.memory_space<vmem>>, vector<1x257x1x256xf32>,
    %slice3A_141 = vector.extract_strided_slice %dot_general3A_117 {offsets = [0, 256], sizes = [257, 256], strides = [1, 1]} : vector<257x2048xf32> to vector<257x256xf32>
    %swap3A_142 = arith.constant 1 : index
    %swap3A_143 = arith.constant 0 : index
    %swap3A_144 = arith.constant 1 : index
    %swap3A_145 = arith.constant 0 : index
    %swap3A_146 = vector.load %arg4[%swap3A_142, %swap3A_143, %swap3A_144, %swap3A_145] : memref<8x257x2x256xf32, #tpu.memory_space<vmem>>, vector<1x257x1x256xf32>
    %swap3A_147 = vector.shape_cast %swap3A_146 : vector<1x257x1x256xf32> to vector<257x256xf32>
    %swap3A_148 = vector.shape_cast %slice3A_141 : vector<257x256xf32> to vector<1x257x1x256xf32>
    tpu.vector_store %arg4[%swap3A_142, %swap3A_143, %swap3A_144, %swap3A_145], %swap3A_148 {strides = array<i32>} : memref<8x257x2x256xf32, #tpu.memory_space<vmem>>, vector<1x257x1x256xf32>,
    %slice3A_149 = vector.extract_strided_slice %dot_general3A_112 {offsets = [0, 512], sizes = [257, 256], strides = [1, 1]} : vector<257x2048xf32> to vector<257x256xf32>
    %swap3A_150 = arith.constant 2 : index
    %swap3A_151 = arith.constant 0 : index
    %swap3A_152 = arith.constant 0 : index
    %swap3A_153 = arith.constant 0 : index
    %swap3A_154 = vector.load %arg4[%swap3A_150, %swap3A_151, %swap3A_152, %swap3A_153] : memref<8x257x2x256xf32, #tpu.memory_space<vmem>>, vector<1x257x1x256xf32>
    %swap3A_155 = vector.shape_cast %swap3A_154 : vector<1x257x1x256xf32> to vector<257x256xf32>
    %swap3A_156 = vector.shape_cast %slice3A_149 : vector<257x256xf32> to vector<1x257x1x256xf32>
    tpu.vector_store %arg4[%swap3A_150, %swap3A_151, %swap3A_152, %swap3A_153], %swap3A_156 {strides = array<i32>} : memref<8x257x2x256xf32, #tpu.memory_space<vmem>>, vector<1x257x1x256xf32>,
    %slice3A_157 = vector.extract_strided_slice %dot_general3A_117 {offsets = [0, 512], sizes = [257, 256], strides = [1, 1]} : vector<257x2048xf32> to vector<257x256xf32>
    %swap3A_158 = arith.constant 2 : index
    %swap3A_159 = arith.constant 0 : index
    %swap3A_160 = arith.constant 1 : index
    %swap3A_161 = arith.constant 0 : index
    %swap3A_162 = vector.load %arg4[%swap3A_158, %swap3A_159, %swap3A_160, %swap3A_161] : memref<8x257x2x256xf32, #tpu.memory_space<vmem>>, vector<1x257x1x256xf32>
    %swap3A_163 = vector.shape_cast %swap3A_162 : vector<1x257x1x256xf32> to vector<257x256xf32>
    %swap3A_164 = vector.shape_cast %slice3A_157 : vector<257x256xf32> to vector<1x257x1x256xf32>
    tpu.vector_store %arg4[%swap3A_158, %swap3A_159, %swap3A_160, %swap3A_161], %swap3A_164 {strides = array<i32>} : memref<8x257x2x256xf32, #tpu.memory_space<vmem>>, vector<1x257x1x256xf32>,
    %slice3A_165 = vector.extract_strided_slice %dot_general3A_112 {offsets = [0, 768], sizes = [257, 256], strides = [1, 1]} : vector<257x2048xf32> to vector<257x256xf32>
    %swap3A_166 = arith.constant 3 : index
    %swap3A_167 = arith.constant 0 : index
    %swap3A_168 = arith.constant 0 : index
    %swap3A_169 = arith.constant 0 : index
    %swap3A_170 = vector.load %arg4[%swap3A_166, %swap3A_167, %swap3A_168, %swap3A_169] : memref<8x257x2x256xf32, #tpu.memory_space<vmem>>, vector<1x257x1x256xf32>
    %swap3A_171 = vector.shape_cast %swap3A_170 : vector<1x257x1x256xf32> to vector<257x256xf32>
    %swap3A_172 = vector.shape_cast %slice3A_165 : vector<257x256xf32> to vector<1x257x1x256xf32>
    tpu.vector_store %arg4[%swap3A_166, %swap3A_167, %swap3A_168, %swap3A_169], %swap3A_172 {strides = array<i32>} : memref<8x257x2x256xf32, #tpu.memory_space<vmem>>, vector<1x257x1x256xf32>,
    %slice3A_173 = vector.extract_strided_slice %dot_general3A_117 {offsets = [0, 768], sizes = [257, 256], strides = [1, 1]} : vector<257x2048xf32> to vector<257x256xf32>
    %swap3A_174 = arith.constant 3 : index
    %swap3A_175 = arith.constant 0 : index
    %swap3A_176 = arith.constant 1 : index
    %swap3A_177 = arith.constant 0 : index
    %swap3A_178 = vector.load %arg4[%swap3A_174, %swap3A_175, %swap3A_176, %swap3A_177] : memref<8x257x2x256xf32, #tpu.memory_space<vmem>>, vector<1x257x1x256xf32>
    %swap3A_179 = vector.shape_cast %swap3A_178 : vector<1x257x1x256xf32> to vector<257x256xf32>
    %swap3A_180 = vector.shape_cast %slice3A_173 : vector<257x256xf32> to vector<1x257x1x256xf32>
    tpu.vector_store %arg4[%swap3A_174, %swap3A_175, %swap3A_176, %swap3A_177], %swap3A_180 {strides = array<i32>} : memref<8x257x2x256xf32, #tpu.memory_space<vmem>>, vector<1x257x1x256xf32>,
    %slice3A_181 = vector.extract_strided_slice %dot_general3A_112 {offsets = [0, 1024], sizes = [257, 256], strides = [1, 1]} : vector<257x2048xf32> to vector<257x256xf32>
    %swap3A_182 = arith.constant 4 : index
    %swap3A_183 = arith.constant 0 : index
    %swap3A_184 = arith.constant 0 : index
    %swap3A_185 = arith.constant 0 : index
    %swap3A_186 = vector.load %arg4[%swap3A_182, %swap3A_183, %swap3A_184, %swap3A_185] : memref<8x257x2x256xf32, #tpu.memory_space<vmem>>, vector<1x257x1x256xf32>
    %swap3A_187 = vector.shape_cast %swap3A_186 : vector<1x257x1x256xf32> to vector<257x256xf32>
    %swap3A_188 = vector.shape_cast %slice3A_181 : vector<257x256xf32> to vector<1x257x1x256xf32>
    tpu.vector_store %arg4[%swap3A_182, %swap3A_183, %swap3A_184, %swap3A_185], %swap3A_188 {strides = array<i32>} : memref<8x257x2x256xf32, #tpu.memory_space<vmem>>, vector<1x257x1x256xf32>,
    %slice3A_189 = vector.extract_strided_slice %dot_general3A_117 {offsets = [0, 1024], sizes = [257, 256], strides = [1, 1]} : vector<257x2048xf32> to vector<257x256xf32>
    %swap3A_190 = arith.constant 4 : index
    %swap3A_191 = arith.constant 0 : index
    %swap3A_192 = arith.constant 1 : index
    %swap3A_193 = arith.constant 0 : index
    %swap3A_194 = vector.load %arg4[%swap3A_190, %swap3A_191, %swap3A_192, %swap3A_193] : memref<8x257x2x256xf32, #tpu.memory_space<vmem>>, vector<1x257x1x256xf32>
    %swap3A_195 = vector.shape_cast %swap3A_194 : vector<1x257x1x256xf32> to vector<257x256xf32>
    %swap3A_196 = vector.shape_cast %slice3A_189 : vector<257x256xf32> to vector<1x257x1x256xf32>
    tpu.vector_store %arg4[%swap3A_190, %swap3A_191, %swap3A_192, %swap3A_193], %swap3A_196 {strides = array<i32>} : memref<8x257x2x256xf32, #tpu.memory_space<vmem>>, vector<1x257x1x256xf32>,
    %slice3A_197 = vector.extract_strided_slice %dot_general3A_112 {offsets = [0, 1280], sizes = [257, 256], strides = [1, 1]} : vector<257x2048xf32> to vector<257x256xf32>
    %swap3A_198 = arith.constant 5 : index
    %swap3A_199 = arith.constant 0 : index
    %swap3A_200 = arith.constant 0 : index
    %swap3A_201 = arith.constant 0 : index
    %swap3A_202 = vector.load %arg4[%swap3A_198, %swap3A_199, %swap3A_200, %swap3A_201] : memref<8x257x2x256xf32, #tpu.memory_space<vmem>>, vector<1x257x1x256xf32>
    %swap3A_203 = vector.shape_cast %swap3A_202 : vector<1x257x1x256xf32> to vector<257x256xf32>
    %swap3A_204 = vector.shape_cast %slice3A_197 : vector<257x256xf32> to vector<1x257x1x256xf32>
    tpu.vector_store %arg4[%swap3A_198, %swap3A_199, %swap3A_200, %swap3A_201], %swap3A_204 {strides = array<i32>} : memref<8x257x2x256xf32, #tpu.memory_space<vmem>>, vector<1x257x1x256xf32>,
    %slice3A_205 = vector.extract_strided_slice %dot_general3A_117 {offsets = [0, 1280], sizes = [257, 256], strides = [1, 1]} : vector<257x2048xf32> to vector<257x256xf32>
    %swap3A_206 = arith.constant 5 : index
    %swap3A_207 = arith.constant 0 : index
    %swap3A_208 = arith.constant 1 : index
    %swap3A_209 = arith.constant 0 : index
    %swap3A_210 = vector.load %arg4[%swap3A_206, %swap3A_207, %swap3A_208, %swap3A_209] : memref<8x257x2x256xf32, #tpu.memory_space<vmem>>, vector<1x257x1x256xf32>
    %swap3A_211 = vector.shape_cast %swap3A_210 : vector<1x257x1x256xf32> to vector<257x256xf32>
    %swap3A_212 = vector.shape_cast %slice3A_205 : vector<257x256xf32> to vector<1x257x1x256xf32>
    tpu.vector_store %arg4[%swap3A_206, %swap3A_207, %swap3A_208, %swap3A_209], %swap3A_212 {strides = array<i32>} : memref<8x257x2x256xf32, #tpu.memory_space<vmem>>, vector<1x257x1x256xf32>,
    %slice3A_213 = vector.extract_strided_slice %dot_general3A_112 {offsets = [0, 1536], sizes = [257, 256], strides = [1, 1]} : vector<257x2048xf32> to vector<257x256xf32>
    %swap3A_214 = arith.constant 6 : index
    %swap3A_215 = arith.constant 0 : index
    %swap3A_216 = arith.constant 0 : index
    %swap3A_217 = arith.constant 0 : index
    %swap3A_218 = vector.load %arg4[%swap3A_214, %swap3A_215, %swap3A_216, %swap3A_217] : memref<8x257x2x256xf32, #tpu.memory_space<vmem>>, vector<1x257x1x256xf32>
    %swap3A_219 = vector.shape_cast %swap3A_218 : vector<1x257x1x256xf32> to vector<257x256xf32>
    %swap3A_220 = vector.shape_cast %slice3A_213 : vector<257x256xf32> to vector<1x257x1x256xf32>
    tpu.vector_store %arg4[%swap3A_214, %swap3A_215, %swap3A_216, %swap3A_217], %swap3A_220 {strides = array<i32>} : memref<8x257x2x256xf32, #tpu.memory_space<vmem>>, vector<1x257x1x256xf32>,
    %slice3A_221 = vector.extract_strided_slice %dot_general3A_117 {offsets = [0, 1536], sizes = [257, 256], strides = [1, 1]} : vector<257x2048xf32> to vector<257x256xf32>
    %swap3A_222 = arith.constant 6 : index
    %swap3A_223 = arith.constant 0 : index
    %swap3A_224 = arith.constant 1 : index
    %swap3A_225 = arith.constant 0 : index
    %swap3A_226 = vector.load %arg4[%swap3A_222, %swap3A_223, %swap3A_224, %swap3A_225] : memref<8x257x2x256xf32, #tpu.memory_space<vmem>>, vector<1x257x1x256xf32>
    %swap3A_227 = vector.shape_cast %swap3A_226 : vector<1x257x1x256xf32> to vector<257x256xf32>
    %swap3A_228 = vector.shape_cast %slice3A_221 : vector<257x256xf32> to vector<1x257x1x256xf32>
    tpu.vector_store %arg4[%swap3A_222, %swap3A_223, %swap3A_224, %swap3A_225], %swap3A_228 {strides = array<i32>} : memref<8x257x2x256xf32, #tpu.memory_space<vmem>>, vector<1x257x1x256xf32>,
    %slice3A_229 = vector.extract_strided_slice %dot_general3A_112 {offsets = [0, 1792], sizes = [257, 256], strides = [1, 1]} : vector<257x2048xf32> to vector<257x256xf32>
    %swap3A_230 = arith.constant 7 : index
    %swap3A_231 = arith.constant 0 : index
    %swap3A_232 = arith.constant 0 : index
    %swap3A_233 = arith.constant 0 : index
    %swap3A_234 = vector.load %arg4[%swap3A_230, %swap3A_231, %swap3A_232, %swap3A_233] : memref<8x257x2x256xf32, #tpu.memory_space<vmem>>, vector<1x257x1x256xf32>
    %swap3A_235 = vector.shape_cast %swap3A_234 : vector<1x257x1x256xf32> to vector<257x256xf32>
    %swap3A_236 = vector.shape_cast %slice3A_229 : vector<257x256xf32> to vector<1x257x1x256xf32>
    tpu.vector_store %arg4[%swap3A_230, %swap3A_231, %swap3A_232, %swap3A_233], %swap3A_236 {strides = array<i32>} : memref<8x257x2x256xf32, #tpu.memory_space<vmem>>, vector<1x257x1x256xf32>,
    %slice3A_237 = vector.extract_strided_slice %dot_general3A_117 {offsets = [0, 1792], sizes = [257, 256], strides = [1, 1]} : vector<257x2048xf32> to vector<257x256xf32>
    %swap3A_238 = arith.constant 7 : index
    %swap3A_239 = arith.constant 0 : index
    %swap3A_240 = arith.constant 1 : index
    %swap3A_241 = arith.constant 0 : index
    %swap3A_242 = vector.load %arg4[%swap3A_238, %swap3A_239, %swap3A_240, %swap3A_241] : memref<8x257x2x256xf32, #tpu.memory_space<vmem>>, vector<1x257x1x256xf32>
    %swap3A_243 = vector.shape_cast %swap3A_242 : vector<1x257x1x256xf32> to vector<257x256xf32>
    %swap3A_244 = vector.shape_cast %slice3A_237 : vector<257x256xf32> to vector<1x257x1x256xf32>
    tpu.vector_store %arg4[%swap3A_238, %swap3A_239, %swap3A_240, %swap3A_241], %swap3A_244 {strides = array<i32>} : memref<8x257x2x256xf32, #tpu.memory_space<vmem>>, vector<1x257x1x256xf32>,
    return
  }
  func.func @transform_0(%arg0: i32) -> (i32, i32, i32) {
    %c0_i32 = arith.constant 0 : i32
    %c0_i32_0 = arith.constant 0 : i32
    %c0_i32_1 = arith.constant 0 : i32
    return %arg0, %c0_i32, %c0_i32_0 : i32, i32, i32
  }
  func.func @transform_1(%arg0: i32) -> (i32, i32) {
    %c0_i32 = arith.constant 0 : i32
    %c0_i32_0 = arith.constant 0 : i32
    %c0_i32_1 = arith.constant 0 : i32
    return %c0_i32, %c0_i32_0 : i32, i32
  }
  func.func @transform_2(%arg0: i32) -> (i32, i32) {
    %c0_i32 = arith.constant 0 : i32
    %c0_i32_0 = arith.constant 0 : i32
    %c0_i32_1 = arith.constant 0 : i32
    return %c0_i32, %c0_i32_0 : i32, i32
  }
  func.func @transform_3(%arg0: i32) -> (i32, i32, i32, i32) {
    %c0_i32 = arith.constant 0 : i32
    %c0_i32_0 = arith.constant 0 : i32
    %c0_i32_1 = arith.constant 0 : i32
    %c0_i32_2 = arith.constant 0 : i32
    return %arg0, %c0_i32, %c0_i32_0, %c0_i32_1 : i32, i32, i32, i32
  }
}

</mosaic_0001>

<sc_bundles>
// kernel: kernel.5.cloned.1.call-start
scs
__scs_entry_jumppad:
0x0: {  	(pc) =	sbr.rel $0x88, $3  }
0x1: {  	(tag) =	ssettag $0x0;
	lr =	simm.s32 $0x1  }
0x2: {  	[smem:$0x3F9F] =	sst lr;
	_ =	strace $0xD0000000  }
0x3: {  	_ = 	snop  }
0x4: {  	_ = 	snop  }
0x5: {  	_ = 	snop  }
0x6: {  	_ = 	snop  }
0x7: {  	_ = 	snop  }
__scs_overlays_trampoline_lowered:
0x8: {  	[smem:$0x3FAE] =	sst s0  }
0x9: {  	[smem:$0x3FAF] =	sst s1  }
0xa: {  	[smem:$0x3FB0] =	sst s2  }
0xb: {  	[smem:$0x3FB1] =	sst s3  }
0xc: {  	[smem:$0x3FB2] =	sst s4  }
0xd: {  	[smem:$0x3FB3] =	sst s5  }
0xe: {  	[smem:$0x3FB4] =	sst s6  }
0xf: {  	[smem:$0x3FB5] =	sst s7  }
0x10: {  	[smem:$0x3FB6] =	sst s8  }
0x11: {  	[smem:$0x3FB7] =	sst s9;
	s0 =	simm.s32 @!p0 $0x0  }
0x12: {  	s1 =	sld [smem:$0x3F9D];
	s0 =	simm.s32 @p0 $0x1  }
0x13: {  	[smem:$0x3FB8] =	sst s0;
	s0 =	simm.s32 @!p1 $0x0  }
0x14: {  	s2 =	sld [smem:$0x3F9C];
	s0 =	simm.s32 @p1 $0x1  }
0x15: {  	[smem:$0x3FB9] =	sst s0;
	s0 =	simm.s32 @!p2 $0x0  }
0x16: {  	s3 =	sld [smem:$0x3FDB];
	s0 =	simm.s32 @p2 $0x1  }
0x17: {  	s4 =	simm.s32 $0x1BF5;
	[smem:$0x3FBB] =	sst s0  }
0x18: {  	s0 =	sld [smem:$0x3F9E];
	_ =	swait.ge [sflag:s4], $0x0  }
0x19: {  	s7 =	sld [smem:$0x3F9F]  }
0x1a: {  	s8 =	sadd.s32 $0xFFFFE003, lr  }
0x1b: {  	s9 =	sadd.s32 $0xFFFFFEF7, lr;
	s5 =	simm.s32 $0xFFFFFFFF;
	p2 =	slt.u32 s8, $0xFFFFF086  }
0x1c: {  	p1 =	slt.u32 s9, $0xF7A;
	s5 =	simm.s32 @!p2 $0x0  }
0x1d: {  	s5 =	simm.s32 @p1 $0x1;
	p0 =	seq.s32 s7, s2  }
0x1e: {  	s7 =	smul.u32 @!p0 $0xF7A, s2;
	p2 =	seq.s32 @!p0 s5, $0x0  }
0x1f: {  	s9 =	smul.u32 $0xF7A, s1;
	s8 =	simm.s32 @!p0 $0x1BF5;
	p2 =	por !p2, p0  }
0x20: {  	[sflag:s8] =	ssyncset.s32 @!p0 $0xFFFFF086;
	s6 =	sadd.s32 @!p0 s3, s7;
	s7 =	simm.s32 @!p0 $0x108  }
0x21: {  	s3 =	sadd.s32 s3, s9;
	s6 =	sadd.s32 @!p0 $0x88, s6;
	s7 =	simm.s32 @p2 $0x1082  }
0x22: {  	[simem:s7], [sflag:s8] =	dma.local @!p0 [hbm:s6], $0xF7A  }
0x23: {  	s9 =	sor.u32 $0xD0000000, s2;
	s6 =	simm.s32 $0x108;
	_ =	swait.ge @!p0 [sflag:s8], $0x0  }
0x24: {  	s3 =	sadd.s32 $0x88, s3;
	s6 =	simm.s32 @!p1 $0x1082;
	[sflag:s4] =	ssyncset.s32 $0xFFFFF086  }
0x25: {  	[simem:s6], [sflag:s4] =	dma.local [hbm:s3], $0xF7A  }
0x26: {  	[smem:$0x3F9F] =	sst s1;
	(tag) =	ssettag s2;
	_ =	strace s9  }
0x27: {  	s1 =	sld [smem:$0x3FAF]  }
0x28: {  	s2 =	sld [smem:$0x3FB0]  }
0x29: {  	s4 =	sld [smem:$0x3FB2]  }
0x2a: {  	p0 =	seq.s32 s5, $0x0;
	s5 =	sld [smem:$0x3FB3]  }
0x2b: {  	s6 =	sld [smem:$0x3FB4]  }
0x2c: {  	s7 =	sld [smem:$0x3FB5]  }
0x2d: {  	s3 =	simm.s32 $0x108;
	s8 =	sld [smem:$0x3FB6]  }
0x2e: {  	s3 =	simm.s32 @!p0 $0x1082;
	s9 =	sld [smem:$0x3FB7]  }
0x2f: {  	lr =	sadd.s32 s0, s3;
	s0 =	sld [smem:$0x3FAE]  }
0x30: {  	s3 =	sld [smem:$0x3FB1]  }
0x31: {  	[smem:$0x3FBA] =	sst s10  }
0x32: {  	s10 =	sld [smem:$0x3FB8];
	_ =	sdelay $0x3  }
0x33: {  	p0 =	seq.s32 s10, $0x1;
	s10 =	sld [smem:$0x3FBA];
	_ =	sdelay $0x3  }
0x34: {  	[smem:$0x3FBA] =	sst s10  }
0x35: {  	s10 =	sld [smem:$0x3FB9];
	_ =	sdelay $0x3  }
0x36: {  	p1 =	seq.s32 s10, $0x1;
	s10 =	sld [smem:$0x3FBA];
	_ =	sdelay $0x3  }
0x37: {  	[smem:$0x3FBA] =	sst s10  }
0x38: {  	s10 =	sld [smem:$0x3FBB]  }
0x39: {  	_ = 	snop;
	(pc) =	sbr.ind lr, $3  }
0x3a: {  	_ = 	snop  }
0x3b: {  	_ = 	snop  }
0x3c: {  	p2 =	seq.s32 s10, $0x1;
	s10 =	sld [smem:$0x3FBA]  }
0x3d: {  	_ =	shalt  }
0x3e: {  	_ =	shalt  }
0x3f: {  	_ =	shalt  }
0x40: {  	_ =	shalt  }
0x41: {  	_ =	shalt  }
0x42: {  	_ =	shalt  }
0x43: {  	_ =	shalt  }
0x44: {  	_ =	shalt  }
0x45: {  	_ =	shalt  }
0x46: {  	_ =	shalt  }
0x47: {  	_ =	shalt  }
0x48: {  	_ =	shalt  }
0x49: {  	_ =	shalt  }
0x4a: {  	_ =	shalt  }
0x4b: {  	_ =	shalt  }
0x4c: {  	_ =	shalt  }
0x4d: {  	_ =	shalt  }
0x4e: {  	_ =	shalt  }
0x4f: {  	_ =	shalt  }
0x50: {  	_ =	shalt  }
0x51: {  	_ =	shalt  }
0x52: {  	_ =	shalt  }
0x53: {  	_ =	shalt  }
0x54: {  	_ =	shalt  }
0x55: {  	_ =	shalt  }
0x56: {  	_ =	shalt  }
0x57: {  	_ =	shalt  }
0x58: {  	_ =	shalt  }
0x59: {  	_ =	shalt  }
0x5a: {  	_ =	shalt  }
0x5b: {  	_ =	shalt  }
0x5c: {  	_ =	shalt  }
0x5d: {  	_ =	shalt  }
0x5e: {  	_ =	shalt  }
0x5f: {  	_ =	shalt  }
0x60: {  	_ =	shalt  }
0x61: {  	_ =	shalt  }
0x62: {  	_ =	shalt  }
0x63: {  	_ =	shalt  }
0x64: {  	_ =	shalt  }
0x65: {  	_ =	shalt  }
0x66: {  	_ =	shalt  }
0x67: {  	_ =	shalt  }
0x68: {  	_ =	shalt  }
0x69: {  	_ =	shalt  }
0x6a: {  	_ =	shalt  }
0x6b: {  	_ =	shalt  }
0x6c: {  	_ =	shalt  }
0x6d: {  	_ =	shalt  }
0x6e: {  	_ =	shalt  }
0x6f: {  	_ =	shalt  }
0x70: {  	_ =	shalt  }
0x71: {  	_ =	shalt  }
0x72: {  	_ =	shalt  }
0x73: {  	_ =	shalt  }
0x74: {  	_ =	shalt  }
0x75: {  	_ =	shalt  }
0x76: {  	_ =	shalt  }
0x77: {  	_ =	shalt  }
0x78: {  	_ =	shalt  }
0x79: {  	_ =	shalt  }
0x7a: {  	_ =	shalt  }
0x7b: {  	_ =	shalt  }
0x7c: {  	_ =	shalt  }
0x7d: {  	_ =	shalt  }
0x7e: {  	_ =	shalt  }
0x7f: {  	_ =	shalt  }
0x80: {  	_ =	shalt  }
0x81: {  	_ =	shalt  }
0x82: {  	_ =	shalt  }
0x83: {  	_ =	shalt  }
0x84: {  	_ =	shalt  }
0x85: {  	_ =	shalt  }
0x86: {  	_ =	shalt  }
0x87: {  	_ =	shalt  }
.Lfunc_end0:
.L_simem_size_0:
called_computation_lowered:
.L_overlay_start_0:
0x88: {  	s0 =	sld [smem:$0x3FD9]  }
0x89: {  	s1 =	sld [smem:$0x3FFE];
	_ =	sdelay $0x3  }
0x8a: {  	s0 =	sadd.s32 s1, s0  }
0x8b: {  	[smem:$0x3FC6] =	sst s0  }
0x8c: {  	_ = 	snop  }
0x8d: {  	s0 =	sld [smem:$0x3FC8]  }
0x8e: {  	s16 =	sld [smem:$0x3FD0];
	(tm) =	ssettm $0x1  }
0x8f: {  	s2 =	sld [smem:$0x3FFB];
	_ =	sdelay $0x3  }
0x90: {  	_ =	strace s2  }
0x91: {  	s2 =	sld [smem:$0x3FFC];
	_ =	sdelay $0x3  }
0x92: {  	_ =	strace s2  }
0x93: {  	s2 =	sld [smem:$0x3FFD];
	_ =	sdelay $0x3  }
0x94: {  	_ =	strace s2  }
0x95: {  	_ =	strace $0x8FFFFFFF  }
0x96: {  	s17 =	sld [smem:$0x3FDB];
	_ =	sdelay $0x1  }
0x97: {  	s3 =	simm.s32 $_scs_section_size  }
0x98: {  	s4 =	simm.s32 $_size__tile_overlayer_lowered;
	s5 =	simm.s32 $_tile_overlayer_lowered  }
0x99: {  	s20 =	simm.s32 $0x1BFF;
	s19 =	sshll.u32 s5, $0x1;
	s2 =	sadd.s32 s3, s17  }
0x9a: {  	s6 =	simm.s32 $0x0;
	s18 =	sshll.u32 s4, $0x1;
	s4 =	sadd.s32 s19, s2  }
0x9b: {  	[timem:s6], [sflag:s20] =	dma.local [hbm:s4], s18  }
0x9c: {  	_ =	swait.ge [sflag:s20], s18  }
0x9d: {  	s3 =	ssub.s32 $0x0, s18;
	[sflag:s20] =	ssyncset.done $0x0  }
0x9e: {  	[sflag:s20] =	ssyncadd.s32 s3;
	_ =	sdelay $0x1  }
0x9f: {  	s21 =	simm.s32 $0x1B8B  }
0xa0: {  	_ =	swait.ge [sflag:s21], $0x1  }
0xa1: {  	[sflag:s21] =	ssyncset.done $0x0  }
0xa2: {  	s23 =	simm.s32 $0x1B8E;
	s22 =	sld [smem:$0x3FFE];
	[sflag:s21] =	ssyncadd.s32 $0xFFFFFFFF  }
0xa3: {  	s24 =	simm.s32 $execute0_lowered;
	[smem:$0x3FD2] =	sst s23  }
0xa4: {  	s4 =	sshll.u32 s24, $0x1;
	_ =	strace $0x80000046;
	[dreg:$0x1] =	wrdreg $0xFFFFFFFF  }
0xa5: {  	s25 =	simm.s32 $_size_execute0_lowered;
	s2 =	sadd.s32 s2, s4;
	[dreg:$0x0] =	wrdreg $0x0  }
0xa6: {  	s4 =	sshll.u32 s25, $0x1;
	[dreg:$0x2] =	wrdreg s2  }
0xa7: {  	[dreg:$0x3] =	wrdreg s4  }
0xa8: {  	[dreg:$0x4] =	wrdreg $0xC0  }
0xa9: {  	_ =	task [dreg:s6], $0x5FFFF  }
0xaa: {  	[dreg:$0x1] =	wrdreg $0xFFFFFFFF  }
0xab: {  	[dreg:$0x0] =	wrdreg $0x60  }
0xac: {  	[dreg:$0x2] =	wrdreg s0  }
0xad: {  	[dreg:$0x3] =	wrdreg s22  }
0xae: {  	[dreg:$0x4] =	wrdreg s16  }
0xaf: {  	[dreg:$0x5] =	wrdreg $0x9  }
0xb0: {  	_ =	task.clear_ibuf [dreg:s6], $0x6FFFF;
	_ =	strace $0x90000046  }
0xb1: {  	s26 =	simm.s32 $0x9;
	_ =	strace $0x80000048  }
0xb2: {  	_ =	swait.ge [sflag:s26], $0x1  }
0xb3: {  	[sflag:s26] =	ssyncadd.s32 $0xFFFFFFFF  }
0xb4: {  	_ =	strace $0x90000048  }
0xb5: {  	_ =	sfence  }
0xb6: {  	s28 =	sld [smem:$0x0];
	_ =	sdelay $0x1  }
0xb7: {  	s29 =	srdreg.scid  }
0xb8: {  	s30 =	sshll.u32 s29, $0xD;
	s31 =	sshrl.u32 s29, $0x2  }
0xb9: {  	s1 =	sand.u32 $0x1, s29;
	s2 =	sand.u32 $0x4000, s30;
	s0 =	sadd.s32 s31, s28  }
0xba: {  	s1 =	sor.u32 s2, s1;
	s0 =	sshll.u32 s0, $0x11  }
0xbb: {  	s0 =	sor.u32 s0, s1  }
0xbc: {  	s0 =	sadd.s32 $0x8F2B, s0  }
0xbd: {  	[sflag:s0] =	ssyncadd.remote.s32 $0x1  }
0xbe: {  	_ =	sfence.sel $0xFFFF  }
0xbf: {  	[dreg:$0x0] =	wrdreg $0xFFFFFFFF;
	(pc) =	sbr.abs _section_cstart, $3  }
0xc0: {  	[dreg:$0x1] =	wrdreg $0xFFFFFFFF  }
0xc1: {  	_ =	task.clear_ibuf [dreg:s6], $0x2FFFF;
	_ =	strace $0x9FFFFFFF  }
0xc2: {  	(tm) =	ssettm $0x7FFFFFFF  }
0xc3: {  	_ =	shalt  }
tec
execute0_lowered:
.L_overlay_start_1:
0x0: {  	(tag) =	ssettag $0x1  }
0x1: {  	s0 =	rddreg [dreg:$0x0]  }
0x2: {  	s1 =	rddreg [dreg:$0x1]  }
0x3: {  	s2 =	rddreg [dreg:$0x2]  }
0x4: {  	s3 =	rddreg [dreg:$0x3];
	s4 =	simm.s32 $0x0  }
0x5: {  	s24 =	stileid.u32;
	[smem:$0x7FF] =	sst s4  }
0x6: {  	s6 =	simm.s32 $0x2;
	s5 =	sadd.s32 $0xE00, s1;
	_ =	strace $0x80000047  }
0x7: {  	[tilespmem:s4], [sflag:$0x2] =	stream.linear.gather [hbm4b:s5+s4], $0x880, $0x38;
	[tilespmem:$0x1100] =	vst v63  }
0x8: {  	s7 =	smul.u32 $0x108, s24;
	_ =	swait.ge [sflag:s6], $0x880  }
0x9: {  	[sflag:s6] =	ssyncset.done $0x0  }
0xa: {  	s7 =	sadd.s32 s2, s7;
	[sflag:s6] =	ssyncadd.s32 $0xFFFFF780  }
0xb: {  	[hbm4b:s7+s4] =	stream.linear.scatter [tilespmem:s4], [sflag:$0x2], $0x840, $0x38;
	[tilespmem:$0x1100] =	vst v63  }
0xc: {  	_ =	swait.ge [sflag:s6], $0x840  }
0xd: {  	[sflag:s6] =	ssyncset.done $0x0  }
0xe: {  	s25 =	simm.s32 $0x880;
	[sflag:s6] =	ssyncadd.s32 $0xFFFFF7C0  }
0xf: {  	[tilespmem:s25], [sflag:$0x2] =	stream.linear.gather [hbm4b:s0+s4], $0x800, $0x38;
	[tilespmem:$0x1100] =	vst v63  }
0x10: {  	_ =	swait.ge [sflag:s6], $0x800  }
0x11: {  	[sflag:s6] =	ssyncset.done $0x0  }
0x12: {  	s28 =	simm.s32 $0x1080;
	s26 =	sadd.s32 $0xC00, s1;
	[sflag:s6] =	ssyncadd.s32 $0xFFFFF800  }
0x13: {  	[tilespmem:s28], [sflag:$0x2] =	stream.linear.gather [hbm4b:s26+s4], $0x80, $0x38;
	[tilespmem:$0x1100] =	vst v63  }
0x14: {  	_ =	swait.ge [sflag:s6], $0x80  }
0x15: {  	[sflag:s6] =	ssyncset.done $0x0  }
0x16: {  	s30 =	simm.s32 $0x80;
	s29 =	sshll.u32 s24, $0x7;
	[sflag:s6] =	ssyncadd.s32 $0xFFFFFF80  }
0x17: {  	s31 =	simm.s32 $0x1;
	s0 =	sadd.s32 $0x880, s29;
	[bflag:$0x0] =	sbarrier.arrive $0xFFFF  }
0x18: {  	[hbm4b:s2+s30] =	stream.indirect.scatter [tilespmem:s28], [sflag:$0x1], $0x1, s0, s30, $0xb8;
	[tilespmem:$0x1100] =	vst v63  }
0x19: {  	_ =	swait.ge [sflag:s31], $0x80  }
0x1a: {  	[sflag:s31] =	ssyncset.done $0x0  }
0x1b: {  	[sflag:s31] =	ssyncadd.s32 $0xFFFFFF80  }
0x1c: {  	_ =	sfence.sel $0x180000  }
0x1d: {  	[bflag:$0x0] =	sbarrier.arrive $0xFFFF  }
0x1e: {  	p0 =	sne.s32 s24, $0x0;
	_ =	strace $0x90000047  }
0x1f: {  	s0 =	sadd.s32 @!p0 $0x100000, s3;
	[bflag:$0x2] =	sbarrier.arrive $0xFFFF  }
0x20: {  	[sflag:s0] =	ssyncadd.tile.s32 @!p0 $0x1;
	_ =	shalt  }
.Lfunc_end2:
_tile_overlayer_lowered:
.L_overlay_start_2:
0x21: {  	(tag) =	ssettag $0x2  }
0x22: {  	s0 =	rddreg [dreg:$0x0];
	s2 =	stileid.u32  }
0x23: {  	s1 =	rddreg [dreg:$0x1];
	p0 =	sne.s32 s2, $0x0  }
0x24: {  	s3 =	rddreg [dreg:$0x2];
	[bflag:$0x3] =	sbarrier.arrive $0xFFFF;
	s2 =	simm.s32 @!p0 $0x1C02  }
0x25: {  	[timem:s3], [sflag:s2] =	dma.local @!p0 [hbm:s0], s1  }
0x26: {  	s0 =	simm.s32 @!p0 $0x2  }
0x27: {  	_ =	swait.ge @!p0 [sflag:s0], s1  }
0x28: {  	s1 =	ssub.s32 @!p0 $0x0, s1;
	[sflag:s0] =	ssyncset.done @!p0 $0x0  }
0x29: {  	[sflag:s0] =	ssyncadd.s32 @!p0 s1  }
0x2a: {  	[bflag:$0x3] =	sbarrier.arrive $0xFFFF  }
0x2b: {  	_ =	shalt  }

</sc_bundles>
